<compile_context>
chip_gen: v7x
topology: tpu7x:2x2x1
jax: 0.10.2.dev20260603
libtpu: 0.0.44.dev20260713+nightly
codegen_flags: <defaults>
</compile_context>

<pallas_src>
import functools

import jax
import jax.numpy as jnp
from jax import lax
from jax.experimental import pallas as pl
from jax.experimental.pallas import tpu as pltpu
from jax.experimental.pallas import tpu_sc as plsc

_NUM_BINS = 1000000
_EMB = 64
_NC = 2
_NS = 16
_NW = _NC * _NS


def _sc_user_gather(table, idx):
    B = idx.shape[0]
    D = table.shape[1]
    b_per_w = B // _NW
    group = 16
    n_groups = b_per_w // group
    mesh = plsc.VectorSubcoreMesh(core_axis_name="c", subcore_axis_name="s")

    @functools.partial(
        pl.kernel,
        mesh=mesh,
        out_type=jax.ShapeDtypeStruct((B, D), table.dtype),
        scratch_types=[
            pltpu.VMEM((b_per_w,), jnp.int32),
            pltpu.VMEM((b_per_w, D), table.dtype),
            pltpu.SemaphoreType.DMA,
        ],
        compiler_params=pltpu.CompilerParams(use_tc_tiling_on_sc=True),
    )
    def gather_kernel(idx_hbm, table_hbm, out_hbm, idx_v, rows_v, sem):
        wid = lax.axis_index("s") * _NC + lax.axis_index("c")
        base = wid * b_per_w
        pltpu.sync_copy(idx_hbm.at[pl.ds(base, b_per_w)], idx_v)

        def body(g, _):
            copies = []
            for half in range(2):
                vec = idx_v[pl.ds((2 * g + half) * group, group)]
                for t in range(group):
                    i = (2 * g + half) * group + t
                    r = vec[t]
                    copies.append(
                        pltpu.async_copy(
                            table_hbm.at[pl.ds(r, 1)],
                            rows_v.at[pl.ds(i, 1)],
                            sem,
                        )
                    )
            for c in copies:
                c.wait()
            return _

        lax.fori_loop(0, n_groups // 2, body, None)
        pltpu.sync_copy(rows_v, out_hbm.at[pl.ds(base, b_per_w)])

    return gather_kernel(idx, table)


def _tc_body(uref, iref, at, gt, wt, ht, mt, st, it, ct, ckr, fwr, fbr,
             w1r, b1r, w2r, b2r, w3r, b3r, w4r, b4r, w5r, b5r, outr):
    T = uref.shape[0]
    f32 = jnp.float32
    tabs = [at, gt, wt, ht, mt, st, it, ct]
    mods = [None, 4, None, None, None, None, 200, None]
    embs = [uref[...]]
    for f in range(8):
        idx = iref[:, f:f + 1]
        if mods[f] is not None:
            idx = lax.rem(idx, mods[f])
        rows = tabs[f].shape[0]
        oh = (idx == lax.broadcasted_iota(jnp.int32, (T, rows), 1)).astype(f32)
        embs.append(jnp.dot(oh, tabs[f][...], preferred_element_type=f32))
    e = jnp.concatenate(embs, axis=1)

    bf16 = jnp.bfloat16

    def bdot(x, y):
        return jnp.dot(x.astype(bf16), y.astype(bf16), preferred_element_type=f32)

    K = ckr[...]
    a = bdot(e, K)
    asum = jnp.sum(a * a, axis=1, keepdims=True)
    srow = jnp.sum(K * K, axis=1, keepdims=True)
    bsum = jnp.dot(e * e, srow, preferred_element_type=f32)
    cross = (0.5 / e.shape[1]) * (asum - bsum)
    linear = jnp.dot(e, fwr[...], preferred_element_type=f32) + fbr[0, 0]

    h = jnp.maximum(bdot(e, w1r[...]) + b1r[...], 0.0)
    h = jnp.maximum(bdot(h, w2r[...]) + b2r[...], 0.0)
    h = jnp.maximum(bdot(h, w3r[...]) + b3r[...], 0.0)
    h = jnp.maximum(bdot(h, w4r[...]) + b4r[...], 0.0)
    dnn = jnp.dot(h, w5r[...], preferred_element_type=f32) + b5r[0, 0]

    logit = linear + cross + dnn
    outr[...] = jax.nn.sigmoid(logit)


def kernel(user_id, age, gender, weekday, hour, minute, second, item_id,
           item_catalog, user_table, age_table, gender_table, weekday_table,
           hour_table, minute_table, second_table, item_table, catalog_table,
           fm_w, fm_b, cross_k, w1, b1, w2, b2, w3, b3, w4, b4, w5, b5):
    B = user_id.shape[0]
    u_idx = jnp.mod(user_id, _NUM_BINS).astype(jnp.int32)
    user_emb = _sc_user_gather(user_table, u_idx)

    sidx = jnp.stack(
        [age, gender, weekday, hour, minute, second, item_id, item_catalog],
        axis=1,
    ).astype(jnp.int32)

    T = 1024
    grid = (B // T,)
    small_tables = [age_table, gender_table, weekday_table, hour_table,
                    minute_table, second_table, item_table, catalog_table]

    def rep(shape):
        nd = len(shape)
        return pl.BlockSpec(shape, lambda i, _n=nd: (0,) * _n)

    in_specs = [
        pl.BlockSpec((T, _EMB), lambda i: (i, 0)),
        pl.BlockSpec((T, 8), lambda i: (i, 0)),
        *[rep(t.shape) for t in small_tables],
        rep(cross_k.shape),
        rep(fm_w.shape), rep((1, 1)),
        rep(w1.shape), rep((1, w1.shape[1])),
        rep(w2.shape), rep((1, w2.shape[1])),
        rep(w3.shape), rep((1, w3.shape[1])),
        rep(w4.shape), rep((1, w4.shape[1])),
        rep(w5.shape), rep((1, 1)),
    ]

    out = pl.pallas_call(
        _tc_body,
        grid=grid,
        in_specs=in_specs,
        out_specs=pl.BlockSpec((T, 1), lambda i: (i, 0)),
        out_shape=jax.ShapeDtypeStruct((B, 1), jnp.float32),
    )(user_emb, sidx, *small_tables, cross_k, fm_w, fm_b.reshape(1, 1),
      w1, b1.reshape(1, -1), w2, b2.reshape(1, -1), w3, b3.reshape(1, -1),
      w4, b4.reshape(1, -1), w5, b5.reshape(1, -1))
    return out

# --- scband reference (transcript-rebuilt; emitter-appended) ---
"""Pipeline reference for scband-deep-fatorization-machine-21723944583411 (READ-ONLY COPY).

The authoritative reference and input builder live on the scoring server;
editing this copy changes nothing except your own understanding.
"""

import jax, jax.numpy as jnp
import numpy as np

NUM_BINS = 1000000
EMB_DIM = 64
B = 16384
CONCAT = EMB_DIM * 9


def _glorot(key, shape):
    fan_in, fan_out = shape[0], shape[-1]
    std = float(np.sqrt(2.0 / (fan_in + fan_out)))
    return jax.random.normal(key, shape, dtype=jnp.float32) * std


def setup_inputs(seed: int = 0) -> dict:
    key = jax.random.key(seed)
    ks = jax.random.split(key, 40)
    inp = {}
    inp['user_id'] = jax.random.randint(ks[0], (B,), 0, 1000000)
    inp['age'] = jax.random.randint(ks[1], (B,), 0, 10)
    inp['gender'] = jax.random.randint(ks[2], (B,), 0, 4)
    inp['weekday'] = jax.random.randint(ks[3], (B,), 0, 8)
    inp['hour'] = jax.random.randint(ks[4], (B,), 0, 24)
    inp['minute'] = jax.random.randint(ks[5], (B,), 0, 60)
    inp['second'] = jax.random.randint(ks[6], (B,), 0, 60)
    inp['item_id'] = jax.random.randint(ks[7], (B,), 0, 100000)
    inp['item_catalog'] = jax.random.randint(ks[8], (B,), 0, 50)
    # embedding tables (glorot-normal initialized)
    inp['user_table'] = _glorot(ks[10], (NUM_BINS, EMB_DIM))
    inp['age_table'] = _glorot(ks[11], (10, EMB_DIM))
    inp['gender_table'] = _glorot(ks[12], (5, EMB_DIM))
    inp['weekday_table'] = _glorot(ks[13], (8, EMB_DIM))
    inp['hour_table'] = _glorot(ks[14], (61, EMB_DIM))
    inp['minute_table'] = _glorot(ks[15], (61, EMB_DIM))
    inp['second_table'] = _glorot(ks[16], (61, EMB_DIM))
    inp['item_table'] = _glorot(ks[17], (200, EMB_DIM))
    inp['catalog_table'] = _glorot(ks[18], (50, EMB_DIM))
    # FM: linear Dense(1) + crosslayer kernel (output_dim = embedding_dim*9 = 576)
    inp['fm_w'] = _glorot(ks[20], (CONCAT, 1))
    inp['fm_b'] = jnp.zeros((1,), dtype=jnp.float32)
    inp['cross_k'] = _glorot(ks[21], (CONCAT, CONCAT))
    # DNN: 576 -> 256 -> 256 -> 128 -> 64 -> 1
    inp['w1'] = _glorot(ks[22], (CONCAT, 256)); inp['b1'] = jnp.zeros((256,), dtype=jnp.float32)
    inp['w2'] = _glorot(ks[23], (256, 256)); inp['b2'] = jnp.zeros((256,), dtype=jnp.float32)
    inp['w3'] = _glorot(ks[24], (256, 128)); inp['b3'] = jnp.zeros((128,), dtype=jnp.float32)
    inp['w4'] = _glorot(ks[25], (128, 64)); inp['b4'] = jnp.zeros((64,), dtype=jnp.float32)
    inp['w5'] = _glorot(ks[26], (64, 1)); inp['b5'] = jnp.zeros((1,), dtype=jnp.float32)
    return inp


def reference(user_id, age, gender, weekday, hour, minute, second, item_id, item_catalog,
              user_table, age_table, gender_table, weekday_table, hour_table, minute_table,
              second_table, item_table, catalog_table,
              fm_w, fm_b, cross_k,
              w1, b1, w2, b2, w3, b3, w4, b4, w5, b5):
    # Hashing layers -> modulo bucketing of raw ids
    u_idx = jnp.mod(user_id, NUM_BINS)
    g_idx = jnp.mod(gender, 4)
    i_idx = jnp.mod(item_id, 200)
    # Embedding lookups (gather) then flatten/concat -> [B, 576]
    e = jnp.concatenate([
        jnp.take(user_table, u_idx, axis=0),
        jnp.take(age_table, age, axis=0),
        jnp.take(gender_table, g_idx, axis=0),
        jnp.take(weekday_table, weekday, axis=0),
        jnp.take(hour_table, hour, axis=0),
        jnp.take(minute_table, minute, axis=0),
        jnp.take(second_table, second, axis=0),
        jnp.take(item_table, i_idx, axis=0),
        jnp.take(catalog_table, item_catalog, axis=0),
    ], axis=-1)
    # FM part
    linear = e @ fm_w + fm_b
    a = jnp.square(e @ cross_k)
    b = jnp.square(e) @ jnp.square(cross_k)
    cross = 0.5 * jnp.mean(a - b, axis=1, keepdims=True)
    fm_logit = linear + cross
    # DNN part (dropout inactive at inference)
    h = jax.nn.relu(e @ w1 + b1)
    h = jax.nn.relu(h @ w2 + b2)
    h = jax.nn.relu(h @ w3 + b3)
    h = jax.nn.relu(h @ w4 + b4)
    dnn_logit = h @ w5 + b5
    logit = fm_logit + dnn_logit
    return jax.nn.sigmoid(logit)

if __name__ == "__main__":
    import jax
    _d = setup_inputs()
    print(jax.jit(kernel)(*tuple(_d.values())))

</pallas_src>

<mosaic_0001>
#map = affine_map<(d0, d1) -> (0)>
#map1 = affine_map<(d0, d1) -> (0, 0)>
module attributes {stable_mosaic.version = 14 : i64} {
  func.func @gather_kernel(%arg0: i32, %arg1: i32, %arg2: memref<16384xi32, #tpu.memory_space<hbm>>, %arg3: memref<1000000x64xf32, #tpu.memory_space<hbm>>, %arg4: memref<16384x64xf32, #tpu.memory_space<hbm>>, %arg5: memref<512xi32, #tpu.memory_space<vmem>>, %arg6: memref<512x64xf32, #tpu.memory_space<vmem>>, %arg7: memref<!tpu.dma_semaphore, #tpu.memory_space<semaphore_mem>>) attributes {dimension_semantics = [#tpu.dimension_semantics<core_parallel>, #tpu.dimension_semantics<subcore_parallel>], iteration_bounds = array<i64: 2, 16>, scalar_prefetch = 0 : i64, scratch_operands = 3 : i64, tpu.core_type = #tpu.core_type<sc_vector_subcore>, window_params = [{transform_indices = #map}, {transform_indices = #map1}, {transform_indices = #map1}]} {
    %mul3A = arith.constant 2 : i32
    %mul3A_0 = arith.muli %arg1, %mul3A : i32
    %add3A = arith.addi %mul3A_0, %arg0 : i32
    %mul3A_1 = arith.constant 512 : i32
    %mul3A_2 = arith.muli %add3A, %mul3A_1 : i32
    "tpu.region"() ({
      %run_scoped3A = tpu.sem_alloc : memref<!tpu.dma_semaphore, #tpu.memory_space<semaphore_mem>>
      %dma_start3A = tpu.memref_slice %arg2[%mul3A_2] : memref<16384xi32, #tpu.memory_space<hbm>> -> memref<512xi32, #tpu.memory_space<hbm>>
      %dma_start3A_7 = tpu.memref_slice %arg2[%mul3A_2] : memref<16384xi32, #tpu.memory_space<hbm>> -> memref<512xi32, #tpu.memory_space<hbm>>
      tpu.enqueue_dma source(%dma_start3A_7 : memref<512xi32, #tpu.memory_space<hbm>>) target(%arg5 : memref<512xi32, #tpu.memory_space<vmem>>) target_semaphore(%run_scoped3A : memref<!tpu.dma_semaphore, #tpu.memory_space<semaphore_mem>>)
      %dma_wait3A = tpu.memref_slice %arg2[%mul3A_2] : memref<16384xi32, #tpu.memory_space<hbm>> -> memref<512xi32, #tpu.memory_space<hbm>>
      %dma_wait3A_8 = tpu.memref_slice %arg2[%mul3A_2] : memref<16384xi32, #tpu.memory_space<hbm>> -> memref<512xi32, #tpu.memory_space<hbm>>
      tpu.wait_dma2 semaphore(%run_scoped3A : memref<!tpu.dma_semaphore, #tpu.memory_space<semaphore_mem>>) src(%dma_wait3A_8 : memref<512xi32, #tpu.memory_space<hbm>>) dst(%arg5 : memref<512xi32, #tpu.memory_space<vmem>>)
      tpu.yield
    }) : () -> ()
    %scan3A = arith.constant 0 : i32
    %scan3A_3 = arith.constant 16 : i32
    %scan3A_4 = arith.addi %scan3A, %scan3A_3 : i32
    %scan3A_5 = arith.constant 1 : i32
    scf.for %scan3A_7 = %scan3A to %scan3A_4 step %scan3A_5  : i32 {
      %mul3A_8 = arith.constant 2 : i32
      %mul3A_9 = arith.muli %mul3A_8, %scan3A_7 : i32
      %add3A_10 = arith.constant 0 : i32
      %add3A_11 = arith.addi %mul3A_9, %add3A_10 : i32
      %mul3A_12 = arith.constant 16 : i32
      %mul3A_13 = arith.muli %add3A_11, %mul3A_12 : i32
      %get3A = arith.index_cast %mul3A_13 : i32 to index
      %get3A_14 = tpu.vector_load %arg5[%get3A] {strides = array<i32>} : memref<512xi32, #tpu.memory_space<vmem>>, vector<16xi32>,
      %get3A_15 = vector.shape_cast %get3A_14 : vector<16xi32> to vector<16xi32>
      %mul3A_16 = arith.constant 2 : i32
      %mul3A_17 = arith.muli %mul3A_16, %scan3A_7 : i32
      %add3A_18 = arith.constant 0 : i32
      %add3A_19 = arith.addi %mul3A_17, %add3A_18 : i32
      %mul3A_20 = arith.constant 16 : i32
      %mul3A_21 = arith.muli %add3A_19, %mul3A_20 : i32
      %add3A_22 = arith.constant 0 : i32
      %add3A_23 = arith.addi %mul3A_21, %add3A_22 : i32
      %slice3A = vector.extract_strided_slice %get3A_15 {offsets = [0], sizes = [1], strides = [1]} : vector<16xi32> to vector<1xi32>
      %squeeze3A = vector.extract %slice3A[0] : i32 from vector<1xi32>
      %dma_start3A = arith.constant 0 : i32
      %dma_start3A_24 = tpu.memref_slice %arg6[%add3A_23, %dma_start3A] : memref<512x64xf32, #tpu.memory_space<vmem>> -> memref<1x64xf32, #tpu.memory_space<vmem>>
      %dma_start3A_25 = arith.constant 0 : i32
      %dma_start3A_26 = tpu.memref_slice %arg3[%squeeze3A, %dma_start3A_25] : memref<1000000x64xf32, #tpu.memory_space<hbm>> -> memref<1x64xf32, #tpu.memory_space<hbm>>
      %dma_start3A_27 = arith.constant 0 : i32
      %dma_start3A_28 = tpu.memref_slice %arg6[%add3A_23, %dma_start3A_27] : memref<512x64xf32, #tpu.memory_space<vmem>> -> memref<1x64xf32, #tpu.memory_space<vmem>>
      %dma_start3A_29 = arith.constant 0 : i32
      %dma_start3A_30 = tpu.memref_slice %arg3[%squeeze3A, %dma_start3A_29] : memref<1000000x64xf32, #tpu.memory_space<hbm>> -> memref<1x64xf32, #tpu.memory_space<hbm>>
      tpu.enqueue_dma source(%dma_start3A_30 : memref<1x64xf32, #tpu.memory_space<hbm>>) target(%dma_start3A_28 : memref<1x64xf32, #tpu.memory_space<vmem>>) target_semaphore(%arg7 : memref<!tpu.dma_semaphore, #tpu.memory_space<semaphore_mem>>)
      %mul3A_31 = arith.constant 2 : i32
      %mul3A_32 = arith.muli %mul3A_31, %scan3A_7 : i32
      %add3A_33 = arith.constant 0 : i32
      %add3A_34 = arith.addi %mul3A_32, %add3A_33 : i32
      %mul3A_35 = arith.constant 16 : i32
      %mul3A_36 = arith.muli %add3A_34, %mul3A_35 : i32
      %add3A_37 = arith.constant 1 : i32
      %add3A_38 = arith.addi %mul3A_36, %add3A_37 : i32
      %slice3A_39 = vector.extract_strided_slice %get3A_15 {offsets = [1], sizes = [1], strides = [1]} : vector<16xi32> to vector<1xi32>
      %squeeze3A_40 = vector.extract %slice3A_39[0] : i32 from vector<1xi32>
      %dma_start3A_41 = arith.constant 0 : i32
      %dma_start3A_42 = tpu.memref_slice %arg6[%add3A_38, %dma_start3A_41] : memref<512x64xf32, #tpu.memory_space<vmem>> -> memref<1x64xf32, #tpu.memory_space<vmem>>
      %dma_start3A_43 = arith.constant 0 : i32
      %dma_start3A_44 = tpu.memref_slice %arg3[%squeeze3A_40, %dma_start3A_43] : memref<1000000x64xf32, #tpu.memory_space<hbm>> -> memref<1x64xf32, #tpu.memory_space<hbm>>
      %dma_start3A_45 = arith.constant 0 : i32
      %dma_start3A_46 = tpu.memref_slice %arg6[%add3A_38, %dma_start3A_45] : memref<512x64xf32, #tpu.memory_space<vmem>> -> memref<1x64xf32, #tpu.memory_space<vmem>>
      %dma_start3A_47 = arith.constant 0 : i32
      %dma_start3A_48 = tpu.memref_slice %arg3[%squeeze3A_40, %dma_start3A_47] : memref<1000000x64xf32, #tpu.memory_space<hbm>> -> memref<1x64xf32, #tpu.memory_space<hbm>>
      tpu.enqueue_dma source(%dma_start3A_48 : memref<1x64xf32, #tpu.memory_space<hbm>>) target(%dma_start3A_46 : memref<1x64xf32, #tpu.memory_space<vmem>>) target_semaphore(%arg7 : memref<!tpu.dma_semaphore, #tpu.memory_space<semaphore_mem>>)
      %mul3A_49 = arith.constant 2 : i32
      %mul3A_50 = arith.muli %mul3A_49, %scan3A_7 : i32
      %add3A_51 = arith.constant 0 : i32
      %add3A_52 = arith.addi %mul3A_50, %add3A_51 : i32
      %mul3A_53 = arith.constant 16 : i32
      %mul3A_54 = arith.muli %add3A_52, %mul3A_53 : i32
      %add3A_55 = arith.constant 2 : i32
      %add3A_56 = arith.addi %mul3A_54, %add3A_55 : i32
      %slice3A_57 = vector.extract_strided_slice %get3A_15 {offsets = [2], sizes = [1], strides = [1]} : vector<16xi32> to vector<1xi32>
      %squeeze3A_58 = vector.extract %slice3A_57[0] : i32 from vector<1xi32>
      %dma_start3A_59 = arith.constant 0 : i32
      %dma_start3A_60 = tpu.memref_slice %arg6[%add3A_56, %dma_start3A_59] : memref<512x64xf32, #tpu.memory_space<vmem>> -> memref<1x64xf32, #tpu.memory_space<vmem>>
      %dma_start3A_61 = arith.constant 0 : i32
      %dma_start3A_62 = tpu.memref_slice %arg3[%squeeze3A_58, %dma_start3A_61] : memref<1000000x64xf32, #tpu.memory_space<hbm>> -> memref<1x64xf32, #tpu.memory_space<hbm>>
      %dma_start3A_63 = arith.constant 0 : i32
      %dma_start3A_64 = tpu.memref_slice %arg6[%add3A_56, %dma_start3A_63] : memref<512x64xf32, #tpu.memory_space<vmem>> -> memref<1x64xf32, #tpu.memory_space<vmem>>
      %dma_start3A_65 = arith.constant 0 : i32
      %dma_start3A_66 = tpu.memref_slice %arg3[%squeeze3A_58, %dma_start3A_65] : memref<1000000x64xf32, #tpu.memory_space<hbm>> -> memref<1x64xf32, #tpu.memory_space<hbm>>
      tpu.enqueue_dma source(%dma_start3A_66 : memref<1x64xf32, #tpu.memory_space<hbm>>) target(%dma_start3A_64 : memref<1x64xf32, #tpu.memory_space<vmem>>) target_semaphore(%arg7 : memref<!tpu.dma_semaphore, #tpu.memory_space<semaphore_mem>>)
      %mul3A_67 = arith.constant 2 : i32
      %mul3A_68 = arith.muli %mul3A_67, %scan3A_7 : i32
      %add3A_69 = arith.constant 0 : i32
      %add3A_70 = arith.addi %mul3A_68, %add3A_69 : i32
      %mul3A_71 = arith.constant 16 : i32
      %mul3A_72 = arith.muli %add3A_70, %mul3A_71 : i32
      %add3A_73 = arith.constant 3 : i32
      %add3A_74 = arith.addi %mul3A_72, %add3A_73 : i32
      %slice3A_75 = vector.extract_strided_slice %get3A_15 {offsets = [3], sizes = [1], strides = [1]} : vector<16xi32> to vector<1xi32>
      %squeeze3A_76 = vector.extract %slice3A_75[0] : i32 from vector<1xi32>
      %dma_start3A_77 = arith.constant 0 : i32
      %dma_start3A_78 = tpu.memref_slice %arg6[%add3A_74, %dma_start3A_77] : memref<512x64xf32, #tpu.memory_space<vmem>> -> memref<1x64xf32, #tpu.memory_space<vmem>>
      %dma_start3A_79 = arith.constant 0 : i32
      %dma_start3A_80 = tpu.memref_slice %arg3[%squeeze3A_76, %dma_start3A_79] : memref<1000000x64xf32, #tpu.memory_space<hbm>> -> memref<1x64xf32, #tpu.memory_space<hbm>>
      %dma_start3A_81 = arith.constant 0 : i32
      %dma_start3A_82 = tpu.memref_slice %arg6[%add3A_74, %dma_start3A_81] : memref<512x64xf32, #tpu.memory_space<vmem>> -> memref<1x64xf32, #tpu.memory_space<vmem>>
      %dma_start3A_83 = arith.constant 0 : i32
      %dma_start3A_84 = tpu.memref_slice %arg3[%squeeze3A_76, %dma_start3A_83] : memref<1000000x64xf32, #tpu.memory_space<hbm>> -> memref<1x64xf32, #tpu.memory_space<hbm>>
      tpu.enqueue_dma source(%dma_start3A_84 : memref<1x64xf32, #tpu.memory_space<hbm>>) target(%dma_start3A_82 : memref<1x64xf32, #tpu.memory_space<vmem>>) target_semaphore(%arg7 : memref<!tpu.dma_semaphore, #tpu.memory_space<semaphore_mem>>)
      %mul3A_85 = arith.constant 2 : i32
      %mul3A_86 = arith.muli %mul3A_85, %scan3A_7 : i32
      %add3A_87 = arith.constant 0 : i32
      %add3A_88 = arith.addi %mul3A_86, %add3A_87 : i32
      %mul3A_89 = arith.constant 16 : i32
      %mul3A_90 = arith.muli %add3A_88, %mul3A_89 : i32
      %add3A_91 = arith.constant 4 : i32
      %add3A_92 = arith.addi %mul3A_90, %add3A_91 : i32
      %slice3A_93 = vector.extract_strided_slice %get3A_15 {offsets = [4], sizes = [1], strides = [1]} : vector<16xi32> to vector<1xi32>
      %squeeze3A_94 = vector.extract %slice3A_93[0] : i32 from vector<1xi32>
      %dma_start3A_95 = arith.constant 0 : i32
      %dma_start3A_96 = tpu.memref_slice %arg6[%add3A_92, %dma_start3A_95] : memref<512x64xf32, #tpu.memory_space<vmem>> -> memref<1x64xf32, #tpu.memory_space<vmem>>
      %dma_start3A_97 = arith.constant 0 : i32
      %dma_start3A_98 = tpu.memref_slice %arg3[%squeeze3A_94, %dma_start3A_97] : memref<1000000x64xf32, #tpu.memory_space<hbm>> -> memref<1x64xf32, #tpu.memory_space<hbm>>
      %dma_start3A_99 = arith.constant 0 : i32
      %dma_start3A_100 = tpu.memref_slice %arg6[%add3A_92, %dma_start3A_99] : memref<512x64xf32, #tpu.memory_space<vmem>> -> memref<1x64xf32, #tpu.memory_space<vmem>>
      %dma_start3A_101 = arith.constant 0 : i32
      %dma_start3A_102 = tpu.memref_slice %arg3[%squeeze3A_94, %dma_start3A_101] : memref<1000000x64xf32, #tpu.memory_space<hbm>> -> memref<1x64xf32, #tpu.memory_space<hbm>>
      tpu.enqueue_dma source(%dma_start3A_102 : memref<1x64xf32, #tpu.memory_space<hbm>>) target(%dma_start3A_100 : memref<1x64xf32, #tpu.memory_space<vmem>>) target_semaphore(%arg7 : memref<!tpu.dma_semaphore, #tpu.memory_space<semaphore_mem>>)
      %mul3A_103 = arith.constant 2 : i32
      %mul3A_104 = arith.muli %mul3A_103, %scan3A_7 : i32
      %add3A_105 = arith.constant 0 : i32
      %add3A_106 = arith.addi %mul3A_104, %add3A_105 : i32
      %mul3A_107 = arith.constant 16 : i32
      %mul3A_108 = arith.muli %add3A_106, %mul3A_107 : i32
      %add3A_109 = arith.constant 5 : i32
      %add3A_110 = arith.addi %mul3A_108, %add3A_109 : i32
      %slice3A_111 = vector.extract_strided_slice %get3A_15 {offsets = [5], sizes = [1], strides = [1]} : vector<16xi32> to vector<1xi32>
      %squeeze3A_112 = vector.extract %slice3A_111[0] : i32 from vector<1xi32>
      %dma_start3A_113 = arith.constant 0 : i32
      %dma_start3A_114 = tpu.memref_slice %arg6[%add3A_110, %dma_start3A_113] : memref<512x64xf32, #tpu.memory_space<vmem>> -> memref<1x64xf32, #tpu.memory_space<vmem>>
      %dma_start3A_115 = arith.constant 0 : i32
      %dma_start3A_116 = tpu.memref_slice %arg3[%squeeze3A_112, %dma_start3A_115] : memref<1000000x64xf32, #tpu.memory_space<hbm>> -> memref<1x64xf32, #tpu.memory_space<hbm>>
      %dma_start3A_117 = arith.constant 0 : i32
      %dma_start3A_118 = tpu.memref_slice %arg6[%add3A_110, %dma_start3A_117] : memref<512x64xf32, #tpu.memory_space<vmem>> -> memref<1x64xf32, #tpu.memory_space<vmem>>
      %dma_start3A_119 = arith.constant 0 : i32
      %dma_start3A_120 = tpu.memref_slice %arg3[%squeeze3A_112, %dma_start3A_119] : memref<1000000x64xf32, #tpu.memory_space<hbm>> -> memref<1x64xf32, #tpu.memory_space<hbm>>
      tpu.enqueue_dma source(%dma_start3A_120 : memref<1x64xf32, #tpu.memory_space<hbm>>) target(%dma_start3A_118 : memref<1x64xf32, #tpu.memory_space<vmem>>) target_semaphore(%arg7 : memref<!tpu.dma_semaphore, #tpu.memory_space<semaphore_mem>>)
      %mul3A_121 = arith.constant 2 : i32
      %mul3A_122 = arith.muli %mul3A_121, %scan3A_7 : i32
      %add3A_123 = arith.constant 0 : i32
      %add3A_124 = arith.addi %mul3A_122, %add3A_123 : i32
      %mul3A_125 = arith.constant 16 : i32
      %mul3A_126 = arith.muli %add3A_124, %mul3A_125 : i32
      %add3A_127 = arith.constant 6 : i32
      %add3A_128 = arith.addi %mul3A_126, %add3A_127 : i32
      %slice3A_129 = vector.extract_strided_slice %get3A_15 {offsets = [6], sizes = [1], strides = [1]} : vector<16xi32> to vector<1xi32>
      %squeeze3A_130 = vector.extract %slice3A_129[0] : i32 from vector<1xi32>
      %dma_start3A_131 = arith.constant 0 : i32
      %dma_start3A_132 = tpu.memref_slice %arg6[%add3A_128, %dma_start3A_131] : memref<512x64xf32, #tpu.memory_space<vmem>> -> memref<1x64xf32, #tpu.memory_space<vmem>>
      %dma_start3A_133 = arith.constant 0 : i32
      %dma_start3A_134 = tpu.memref_slice %arg3[%squeeze3A_130, %dma_start3A_133] : memref<1000000x64xf32, #tpu.memory_space<hbm>> -> memref<1x64xf32, #tpu.memory_space<hbm>>
      %dma_start3A_135 = arith.constant 0 : i32
      %dma_start3A_136 = tpu.memref_slice %arg6[%add3A_128, %dma_start3A_135] : memref<512x64xf32, #tpu.memory_space<vmem>> -> memref<1x64xf32, #tpu.memory_space<vmem>>
      %dma_start3A_137 = arith.constant 0 : i32
      %dma_start3A_138 = tpu.memref_slice %arg3[%squeeze3A_130, %dma_start3A_137] : memref<1000000x64xf32, #tpu.memory_space<hbm>> -> memref<1x64xf32, #tpu.memory_space<hbm>>
      tpu.enqueue_dma source(%dma_start3A_138 : memref<1x64xf32, #tpu.memory_space<hbm>>) target(%dma_start3A_136 : memref<1x64xf32, #tpu.memory_space<vmem>>) target_semaphore(%arg7 : memref<!tpu.dma_semaphore, #tpu.memory_space<semaphore_mem>>)
      %mul3A_139 = arith.constant 2 : i32
      %mul3A_140 = arith.muli %mul3A_139, %scan3A_7 : i32
      %add3A_141 = arith.constant 0 : i32
      %add3A_142 = arith.addi %mul3A_140, %add3A_141 : i32
      %mul3A_143 = arith.constant 16 : i32
      %mul3A_144 = arith.muli %add3A_142, %mul3A_143 : i32
      %add3A_145 = arith.constant 7 : i32
      %add3A_146 = arith.addi %mul3A_144, %add3A_145 : i32
      %slice3A_147 = vector.extract_strided_slice %get3A_15 {offsets = [7], sizes = [1], strides = [1]} : vector<16xi32> to vector<1xi32>
      %squeeze3A_148 = vector.extract %slice3A_147[0] : i32 from vector<1xi32>
      %dma_start3A_149 = arith.constant 0 : i32
      %dma_start3A_150 = tpu.memref_slice %arg6[%add3A_146, %dma_start3A_149] : memref<512x64xf32, #tpu.memory_space<vmem>> -> memref<1x64xf32, #tpu.memory_space<vmem>>
      %dma_start3A_151 = arith.constant 0 : i32
      %dma_start3A_152 = tpu.memref_slice %arg3[%squeeze3A_148, %dma_start3A_151] : memref<1000000x64xf32, #tpu.memory_space<hbm>> -> memref<1x64xf32, #tpu.memory_space<hbm>>
      %dma_start3A_153 = arith.constant 0 : i32
      %dma_start3A_154 = tpu.memref_slice %arg6[%add3A_146, %dma_start3A_153] : memref<512x64xf32, #tpu.memory_space<vmem>> -> memref<1x64xf32, #tpu.memory_space<vmem>>
      %dma_start3A_155 = arith.constant 0 : i32
      %dma_start3A_156 = tpu.memref_slice %arg3[%squeeze3A_148, %dma_start3A_155] : memref<1000000x64xf32, #tpu.memory_space<hbm>> -> memref<1x64xf32, #tpu.memory_space<hbm>>
      tpu.enqueue_dma source(%dma_start3A_156 : memref<1x64xf32, #tpu.memory_space<hbm>>) target(%dma_start3A_154 : memref<1x64xf32, #tpu.memory_space<vmem>>) target_semaphore(%arg7 : memref<!tpu.dma_semaphore, #tpu.memory_space<semaphore_mem>>)
      %mul3A_157 = arith.constant 2 : i32
      %mul3A_158 = arith.muli %mul3A_157, %scan3A_7 : i32
      %add3A_159 = arith.constant 0 : i32
      %add3A_160 = arith.addi %mul3A_158, %add3A_159 : i32
      %mul3A_161 = arith.constant 16 : i32
      %mul3A_162 = arith.muli %add3A_160, %mul3A_161 : i32
      %add3A_163 = arith.constant 8 : i32
      %add3A_164 = arith.addi %mul3A_162, %add3A_163 : i32
      %slice3A_165 = vector.extract_strided_slice %get3A_15 {offsets = [8], sizes = [1], strides = [1]} : vector<16xi32> to vector<1xi32>
      %squeeze3A_166 = vector.extract %slice3A_165[0] : i32 from vector<1xi32>
      %dma_start3A_167 = arith.constant 0 : i32
      %dma_start3A_168 = tpu.memref_slice %arg6[%add3A_164, %dma_start3A_167] : memref<512x64xf32, #tpu.memory_space<vmem>> -> memref<1x64xf32, #tpu.memory_space<vmem>>
      %dma_start3A_169 = arith.constant 0 : i32
      %dma_start3A_170 = tpu.memref_slice %arg3[%squeeze3A_166, %dma_start3A_169] : memref<1000000x64xf32, #tpu.memory_space<hbm>> -> memref<1x64xf32, #tpu.memory_space<hbm>>
      %dma_start3A_171 = arith.constant 0 : i32
      %dma_start3A_172 = tpu.memref_slice %arg6[%add3A_164, %dma_start3A_171] : memref<512x64xf32, #tpu.memory_space<vmem>> -> memref<1x64xf32, #tpu.memory_space<vmem>>
      %dma_start3A_173 = arith.constant 0 : i32
      %dma_start3A_174 = tpu.memref_slice %arg3[%squeeze3A_166, %dma_start3A_173] : memref<1000000x64xf32, #tpu.memory_space<hbm>> -> memref<1x64xf32, #tpu.memory_space<hbm>>
      tpu.enqueue_dma source(%dma_start3A_174 : memref<1x64xf32, #tpu.memory_space<hbm>>) target(%dma_start3A_172 : memref<1x64xf32, #tpu.memory_space<vmem>>) target_semaphore(%arg7 : memref<!tpu.dma_semaphore, #tpu.memory_space<semaphore_mem>>)
      %mul3A_175 = arith.constant 2 : i32
      %mul3A_176 = arith.muli %mul3A_175, %scan3A_7 : i32
      %add3A_177 = arith.constant 0 : i32
      %add3A_178 = arith.addi %mul3A_176, %add3A_177 : i32
      %mul3A_179 = arith.constant 16 : i32
      %mul3A_180 = arith.muli %add3A_178, %mul3A_179 : i32
      %add3A_181 = arith.constant 9 : i32
      %add3A_182 = arith.addi %mul3A_180, %add3A_181 : i32
      %slice3A_183 = vector.extract_strided_slice %get3A_15 {offsets = [9], sizes = [1], strides = [1]} : vector<16xi32> to vector<1xi32>
      %squeeze3A_184 = vector.extract %slice3A_183[0] : i32 from vector<1xi32>
      %dma_start3A_185 = arith.constant 0 : i32
      %dma_start3A_186 = tpu.memref_slice %arg6[%add3A_182, %dma_start3A_185] : memref<512x64xf32, #tpu.memory_space<vmem>> -> memref<1x64xf32, #tpu.memory_space<vmem>>
      %dma_start3A_187 = arith.constant 0 : i32
      %dma_start3A_188 = tpu.memref_slice %arg3[%squeeze3A_184, %dma_start3A_187] : memref<1000000x64xf32, #tpu.memory_space<hbm>> -> memref<1x64xf32, #tpu.memory_space<hbm>>
      %dma_start3A_189 = arith.constant 0 : i32
      %dma_start3A_190 = tpu.memref_slice %arg6[%add3A_182, %dma_start3A_189] : memref<512x64xf32, #tpu.memory_space<vmem>> -> memref<1x64xf32, #tpu.memory_space<vmem>>
      %dma_start3A_191 = arith.constant 0 : i32
      %dma_start3A_192 = tpu.memref_slice %arg3[%squeeze3A_184, %dma_start3A_191] : memref<1000000x64xf32, #tpu.memory_space<hbm>> -> memref<1x64xf32, #tpu.memory_space<hbm>>
      tpu.enqueue_dma source(%dma_start3A_192 : memref<1x64xf32, #tpu.memory_space<hbm>>) target(%dma_start3A_190 : memref<1x64xf32, #tpu.memory_space<vmem>>) target_semaphore(%arg7 : memref<!tpu.dma_semaphore, #tpu.memory_space<semaphore_mem>>)
      %mul3A_193 = arith.constant 2 : i32
      %mul3A_194 = arith.muli %mul3A_193, %scan3A_7 : i32
      %add3A_195 = arith.constant 0 : i32
      %add3A_196 = arith.addi %mul3A_194, %add3A_195 : i32
      %mul3A_197 = arith.constant 16 : i32
      %mul3A_198 = arith.muli %add3A_196, %mul3A_197 : i32
      %add3A_199 = arith.constant 10 : i32
      %add3A_200 = arith.addi %mul3A_198, %add3A_199 : i32
      %slice3A_201 = vector.extract_strided_slice %get3A_15 {offsets = [10], sizes = [1], strides = [1]} : vector<16xi32> to vector<1xi32>
      %squeeze3A_202 = vector.extract %slice3A_201[0] : i32 from vector<1xi32>
      %dma_start3A_203 = arith.constant 0 : i32
      %dma_start3A_204 = tpu.memref_slice %arg6[%add3A_200, %dma_start3A_203] : memref<512x64xf32, #tpu.memory_space<vmem>> -> memref<1x64xf32, #tpu.memory_space<vmem>>
      %dma_start3A_205 = arith.constant 0 : i32
      %dma_start3A_206 = tpu.memref_slice %arg3[%squeeze3A_202, %dma_start3A_205] : memref<1000000x64xf32, #tpu.memory_space<hbm>> -> memref<1x64xf32, #tpu.memory_space<hbm>>
      %dma_start3A_207 = arith.constant 0 : i32
      %dma_start3A_208 = tpu.memref_slice %arg6[%add3A_200, %dma_start3A_207] : memref<512x64xf32, #tpu.memory_space<vmem>> -> memref<1x64xf32, #tpu.memory_space<vmem>>
      %dma_start3A_209 = arith.constant 0 : i32
      %dma_start3A_210 = tpu.memref_slice %arg3[%squeeze3A_202, %dma_start3A_209] : memref<1000000x64xf32, #tpu.memory_space<hbm>> -> memref<1x64xf32, #tpu.memory_space<hbm>>
      tpu.enqueue_dma source(%dma_start3A_210 : memref<1x64xf32, #tpu.memory_space<hbm>>) target(%dma_start3A_208 : memref<1x64xf32, #tpu.memory_space<vmem>>) target_semaphore(%arg7 : memref<!tpu.dma_semaphore, #tpu.memory_space<semaphore_mem>>)
      %mul3A_211 = arith.constant 2 : i32
      %mul3A_212 = arith.muli %mul3A_211, %scan3A_7 : i32
      %add3A_213 = arith.constant 0 : i32
      %add3A_214 = arith.addi %mul3A_212, %add3A_213 : i32
      %mul3A_215 = arith.constant 16 : i32
      %mul3A_216 = arith.muli %add3A_214, %mul3A_215 : i32
      %add3A_217 = arith.constant 11 : i32
      %add3A_218 = arith.addi %mul3A_216, %add3A_217 : i32
      %slice3A_219 = vector.extract_strided_slice %get3A_15 {offsets = [11], sizes = [1], strides = [1]} : vector<16xi32> to vector<1xi32>
      %squeeze3A_220 = vector.extract %slice3A_219[0] : i32 from vector<1xi32>
      %dma_start3A_221 = arith.constant 0 : i32
      %dma_start3A_222 = tpu.memref_slice %arg6[%add3A_218, %dma_start3A_221] : memref<512x64xf32, #tpu.memory_space<vmem>> -> memref<1x64xf32, #tpu.memory_space<vmem>>
      %dma_start3A_223 = arith.constant 0 : i32
      %dma_start3A_224 = tpu.memref_slice %arg3[%squeeze3A_220, %dma_start3A_223] : memref<1000000x64xf32, #tpu.memory_space<hbm>> -> memref<1x64xf32, #tpu.memory_space<hbm>>
      %dma_start3A_225 = arith.constant 0 : i32
      %dma_start3A_226 = tpu.memref_slice %arg6[%add3A_218, %dma_start3A_225] : memref<512x64xf32, #tpu.memory_space<vmem>> -> memref<1x64xf32, #tpu.memory_space<vmem>>
      %dma_start3A_227 = arith.constant 0 : i32
      %dma_start3A_228 = tpu.memref_slice %arg3[%squeeze3A_220, %dma_start3A_227] : memref<1000000x64xf32, #tpu.memory_space<hbm>> -> memref<1x64xf32, #tpu.memory_space<hbm>>
      tpu.enqueue_dma source(%dma_start3A_228 : memref<1x64xf32, #tpu.memory_space<hbm>>) target(%dma_start3A_226 : memref<1x64xf32, #tpu.memory_space<vmem>>) target_semaphore(%arg7 : memref<!tpu.dma_semaphore, #tpu.memory_space<semaphore_mem>>)
      %mul3A_229 = arith.constant 2 : i32
      %mul3A_230 = arith.muli %mul3A_229, %scan3A_7 : i32
      %add3A_231 = arith.constant 0 : i32
      %add3A_232 = arith.addi %mul3A_230, %add3A_231 : i32
      %mul3A_233 = arith.constant 16 : i32
      %mul3A_234 = arith.muli %add3A_232, %mul3A_233 : i32
      %add3A_235 = arith.constant 12 : i32
      %add3A_236 = arith.addi %mul3A_234, %add3A_235 : i32
      %slice3A_237 = vector.extract_strided_slice %get3A_15 {offsets = [12], sizes = [1], strides = [1]} : vector<16xi32> to vector<1xi32>
      %squeeze3A_238 = vector.extract %slice3A_237[0] : i32 from vector<1xi32>
      %dma_start3A_239 = arith.constant 0 : i32
      %dma_start3A_240 = tpu.memref_slice %arg6[%add3A_236, %dma_start3A_239] : memref<512x64xf32, #tpu.memory_space<vmem>> -> memref<1x64xf32, #tpu.memory_space<vmem>>
      %dma_start3A_241 = arith.constant 0 : i32
      %dma_start3A_242 = tpu.memref_slice %arg3[%squeeze3A_238, %dma_start3A_241] : memref<1000000x64xf32, #tpu.memory_space<hbm>> -> memref<1x64xf32, #tpu.memory_space<hbm>>
      %dma_start3A_243 = arith.constant 0 : i32
      %dma_start3A_244 = tpu.memref_slice %arg6[%add3A_236, %dma_start3A_243] : memref<512x64xf32, #tpu.memory_space<vmem>> -> memref<1x64xf32, #tpu.memory_space<vmem>>
      %dma_start3A_245 = arith.constant 0 : i32
      %dma_start3A_246 = tpu.memref_slice %arg3[%squeeze3A_238, %dma_start3A_245] : memref<1000000x64xf32, #tpu.memory_space<hbm>> -> memref<1x64xf32, #tpu.memory_space<hbm>>
      tpu.enqueue_dma source(%dma_start3A_246 : memref<1x64xf32, #tpu.memory_space<hbm>>) target(%dma_start3A_244 : memref<1x64xf32, #tpu.memory_space<vmem>>) target_semaphore(%arg7 : memref<!tpu.dma_semaphore, #tpu.memory_space<semaphore_mem>>)
      %mul3A_247 = arith.constant 2 : i32
      %mul3A_248 = arith.muli %mul3A_247, %scan3A_7 : i32
      %add3A_249 = arith.constant 0 : i32
      %add3A_250 = arith.addi %mul3A_248, %add3A_249 : i32
      %mul3A_251 = arith.constant 16 : i32
      %mul3A_252 = arith.muli %add3A_250, %mul3A_251 : i32
      %add3A_253 = arith.constant 13 : i32
      %add3A_254 = arith.addi %mul3A_252, %add3A_253 : i32
      %slice3A_255 = vector.extract_strided_slice %get3A_15 {offsets = [13], sizes = [1], strides = [1]} : vector<16xi32> to vector<1xi32>
      %squeeze3A_256 = vector.extract %slice3A_255[0] : i32 from vector<1xi32>
      %dma_start3A_257 = arith.constant 0 : i32
      %dma_start3A_258 = tpu.memref_slice %arg6[%add3A_254, %dma_start3A_257] : memref<512x64xf32, #tpu.memory_space<vmem>> -> memref<1x64xf32, #tpu.memory_space<vmem>>
      %dma_start3A_259 = arith.constant 0 : i32
      %dma_start3A_260 = tpu.memref_slice %arg3[%squeeze3A_256, %dma_start3A_259] : memref<1000000x64xf32, #tpu.memory_space<hbm>> -> memref<1x64xf32, #tpu.memory_space<hbm>>
      %dma_start3A_261 = arith.constant 0 : i32
      %dma_start3A_262 = tpu.memref_slice %arg6[%add3A_254, %dma_start3A_261] : memref<512x64xf32, #tpu.memory_space<vmem>> -> memref<1x64xf32, #tpu.memory_space<vmem>>
      %dma_start3A_263 = arith.constant 0 : i32
      %dma_start3A_264 = tpu.memref_slice %arg3[%squeeze3A_256, %dma_start3A_263] : memref<1000000x64xf32, #tpu.memory_space<hbm>> -> memref<1x64xf32, #tpu.memory_space<hbm>>
      tpu.enqueue_dma source(%dma_start3A_264 : memref<1x64xf32, #tpu.memory_space<hbm>>) target(%dma_start3A_262 : memref<1x64xf32, #tpu.memory_space<vmem>>) target_semaphore(%arg7 : memref<!tpu.dma_semaphore, #tpu.memory_space<semaphore_mem>>)
      %mul3A_265 = arith.constant 2 : i32
      %mul3A_266 = arith.muli %mul3A_265, %scan3A_7 : i32
      %add3A_267 = arith.constant 0 : i32
      %add3A_268 = arith.addi %mul3A_266, %add3A_267 : i32
      %mul3A_269 = arith.constant 16 : i32
      %mul3A_270 = arith.muli %add3A_268, %mul3A_269 : i32
      %add3A_271 = arith.constant 14 : i32
      %add3A_272 = arith.addi %mul3A_270, %add3A_271 : i32
      %slice3A_273 = vector.extract_strided_slice %get3A_15 {offsets = [14], sizes = [1], strides = [1]} : vector<16xi32> to vector<1xi32>
      %squeeze3A_274 = vector.extract %slice3A_273[0] : i32 from vector<1xi32>
      %dma_start3A_275 = arith.constant 0 : i32
      %dma_start3A_276 = tpu.memref_slice %arg6[%add3A_272, %dma_start3A_275] : memref<512x64xf32, #tpu.memory_space<vmem>> -> memref<1x64xf32, #tpu.memory_space<vmem>>
      %dma_start3A_277 = arith.constant 0 : i32
      %dma_start3A_278 = tpu.memref_slice %arg3[%squeeze3A_274, %dma_start3A_277] : memref<1000000x64xf32, #tpu.memory_space<hbm>> -> memref<1x64xf32, #tpu.memory_space<hbm>>
      %dma_start3A_279 = arith.constant 0 : i32
      %dma_start3A_280 = tpu.memref_slice %arg6[%add3A_272, %dma_start3A_279] : memref<512x64xf32, #tpu.memory_space<vmem>> -> memref<1x64xf32, #tpu.memory_space<vmem>>
      %dma_start3A_281 = arith.constant 0 : i32
      %dma_start3A_282 = tpu.memref_slice %arg3[%squeeze3A_274, %dma_start3A_281] : memref<1000000x64xf32, #tpu.memory_space<hbm>> -> memref<1x64xf32, #tpu.memory_space<hbm>>
      tpu.enqueue_dma source(%dma_start3A_282 : memref<1x64xf32, #tpu.memory_space<hbm>>) target(%dma_start3A_280 : memref<1x64xf32, #tpu.memory_space<vmem>>) target_semaphore(%arg7 : memref<!tpu.dma_semaphore, #tpu.memory_space<semaphore_mem>>)
      %mul3A_283 = arith.constant 2 : i32
      %mul3A_284 = arith.muli %mul3A_283, %scan3A_7 : i32
      %add3A_285 = arith.constant 0 : i32
      %add3A_286 = arith.addi %mul3A_284, %add3A_285 : i32
      %mul3A_287 = arith.constant 16 : i32
      %mul3A_288 = arith.muli %add3A_286, %mul3A_287 : i32
      %add3A_289 = arith.constant 15 : i32
      %add3A_290 = arith.addi %mul3A_288, %add3A_289 : i32
      %slice3A_291 = vector.extract_strided_slice %get3A_15 {offsets = [15], sizes = [1], strides = [1]} : vector<16xi32> to vector<1xi32>
      %squeeze3A_292 = vector.extract %slice3A_291[0] : i32 from vector<1xi32>
      %dma_start3A_293 = arith.constant 0 : i32
      %dma_start3A_294 = tpu.memref_slice %arg6[%add3A_290, %dma_start3A_293] : memref<512x64xf32, #tpu.memory_space<vmem>> -> memref<1x64xf32, #tpu.memory_space<vmem>>
      %dma_start3A_295 = arith.constant 0 : i32
      %dma_start3A_296 = tpu.memref_slice %arg3[%squeeze3A_292, %dma_start3A_295] : memref<1000000x64xf32, #tpu.memory_space<hbm>> -> memref<1x64xf32, #tpu.memory_space<hbm>>
      %dma_start3A_297 = arith.constant 0 : i32
      %dma_start3A_298 = tpu.memref_slice %arg6[%add3A_290, %dma_start3A_297] : memref<512x64xf32, #tpu.memory_space<vmem>> -> memref<1x64xf32, #tpu.memory_space<vmem>>
      %dma_start3A_299 = arith.constant 0 : i32
      %dma_start3A_300 = tpu.memref_slice %arg3[%squeeze3A_292, %dma_start3A_299] : memref<1000000x64xf32, #tpu.memory_space<hbm>> -> memref<1x64xf32, #tpu.memory_space<hbm>>
      tpu.enqueue_dma source(%dma_start3A_300 : memref<1x64xf32, #tpu.memory_space<hbm>>) target(%dma_start3A_298 : memref<1x64xf32, #tpu.memory_space<vmem>>) target_semaphore(%arg7 : memref<!tpu.dma_semaphore, #tpu.memory_space<semaphore_mem>>)
      %mul3A_301 = arith.constant 2 : i32
      %mul3A_302 = arith.muli %mul3A_301, %scan3A_7 : i32
      %add3A_303 = arith.constant 1 : i32
      %add3A_304 = arith.addi %mul3A_302, %add3A_303 : i32
      %mul3A_305 = arith.constant 16 : i32
      %mul3A_306 = arith.muli %add3A_304, %mul3A_305 : i32
      %get3A_307 = arith.index_cast %mul3A_306 : i32 to index
      %get3A_308 = tpu.vector_load %arg5[%get3A_307] {strides = array<i32>} : memref<512xi32, #tpu.memory_space<vmem>>, vector<16xi32>,
      %get3A_309 = vector.shape_cast %get3A_308 : vector<16xi32> to vector<16xi32>
      %mul3A_310 = arith.constant 2 : i32
      %mul3A_311 = arith.muli %mul3A_310, %scan3A_7 : i32
      %add3A_312 = arith.constant 1 : i32
      %add3A_313 = arith.addi %mul3A_311, %add3A_312 : i32
      %mul3A_314 = arith.constant 16 : i32
      %mul3A_315 = arith.muli %add3A_313, %mul3A_314 : i32
      %add3A_316 = arith.constant 0 : i32
      %add3A_317 = arith.addi %mul3A_315, %add3A_316 : i32
      %slice3A_318 = vector.extract_strided_slice %get3A_309 {offsets = [0], sizes = [1], strides = [1]} : vector<16xi32> to vector<1xi32>
      %squeeze3A_319 = vector.extract %slice3A_318[0] : i32 from vector<1xi32>
      %dma_start3A_320 = arith.constant 0 : i32
      %dma_start3A_321 = tpu.memref_slice %arg6[%add3A_317, %dma_start3A_320] : memref<512x64xf32, #tpu.memory_space<vmem>> -> memref<1x64xf32, #tpu.memory_space<vmem>>
      %dma_start3A_322 = arith.constant 0 : i32
      %dma_start3A_323 = tpu.memref_slice %arg3[%squeeze3A_319, %dma_start3A_322] : memref<1000000x64xf32, #tpu.memory_space<hbm>> -> memref<1x64xf32, #tpu.memory_space<hbm>>
      %dma_start3A_324 = arith.constant 0 : i32
      %dma_start3A_325 = tpu.memref_slice %arg6[%add3A_317, %dma_start3A_324] : memref<512x64xf32, #tpu.memory_space<vmem>> -> memref<1x64xf32, #tpu.memory_space<vmem>>
      %dma_start3A_326 = arith.constant 0 : i32
      %dma_start3A_327 = tpu.memref_slice %arg3[%squeeze3A_319, %dma_start3A_326] : memref<1000000x64xf32, #tpu.memory_space<hbm>> -> memref<1x64xf32, #tpu.memory_space<hbm>>
      tpu.enqueue_dma source(%dma_start3A_327 : memref<1x64xf32, #tpu.memory_space<hbm>>) target(%dma_start3A_325 : memref<1x64xf32, #tpu.memory_space<vmem>>) target_semaphore(%arg7 : memref<!tpu.dma_semaphore, #tpu.memory_space<semaphore_mem>>)
      %mul3A_328 = arith.constant 2 : i32
      %mul3A_329 = arith.muli %mul3A_328, %scan3A_7 : i32
      %add3A_330 = arith.constant 1 : i32
      %add3A_331 = arith.addi %mul3A_329, %add3A_330 : i32
      %mul3A_332 = arith.constant 16 : i32
      %mul3A_333 = arith.muli %add3A_331, %mul3A_332 : i32
      %add3A_334 = arith.constant 1 : i32
      %add3A_335 = arith.addi %mul3A_333, %add3A_334 : i32
      %slice3A_336 = vector.extract_strided_slice %get3A_309 {offsets = [1], sizes = [1], strides = [1]} : vector<16xi32> to vector<1xi32>
      %squeeze3A_337 = vector.extract %slice3A_336[0] : i32 from vector<1xi32>
      %dma_start3A_338 = arith.constant 0 : i32
      %dma_start3A_339 = tpu.memref_slice %arg6[%add3A_335, %dma_start3A_338] : memref<512x64xf32, #tpu.memory_space<vmem>> -> memref<1x64xf32, #tpu.memory_space<vmem>>
      %dma_start3A_340 = arith.constant 0 : i32
      %dma_start3A_341 = tpu.memref_slice %arg3[%squeeze3A_337, %dma_start3A_340] : memref<1000000x64xf32, #tpu.memory_space<hbm>> -> memref<1x64xf32, #tpu.memory_space<hbm>>
      %dma_start3A_342 = arith.constant 0 : i32
      %dma_start3A_343 = tpu.memref_slice %arg6[%add3A_335, %dma_start3A_342] : memref<512x64xf32, #tpu.memory_space<vmem>> -> memref<1x64xf32, #tpu.memory_space<vmem>>
      %dma_start3A_344 = arith.constant 0 : i32
      %dma_start3A_345 = tpu.memref_slice %arg3[%squeeze3A_337, %dma_start3A_344] : memref<1000000x64xf32, #tpu.memory_space<hbm>> -> memref<1x64xf32, #tpu.memory_space<hbm>>
      tpu.enqueue_dma source(%dma_start3A_345 : memref<1x64xf32, #tpu.memory_space<hbm>>) target(%dma_start3A_343 : memref<1x64xf32, #tpu.memory_space<vmem>>) target_semaphore(%arg7 : memref<!tpu.dma_semaphore, #tpu.memory_space<semaphore_mem>>)
      %mul3A_346 = arith.constant 2 : i32
      %mul3A_347 = arith.muli %mul3A_346, %scan3A_7 : i32
      %add3A_348 = arith.constant 1 : i32
      %add3A_349 = arith.addi %mul3A_347, %add3A_348 : i32
      %mul3A_350 = arith.constant 16 : i32
      %mul3A_351 = arith.muli %add3A_349, %mul3A_350 : i32
      %add3A_352 = arith.constant 2 : i32
      %add3A_353 = arith.addi %mul3A_351, %add3A_352 : i32
      %slice3A_354 = vector.extract_strided_slice %get3A_309 {offsets = [2], sizes = [1], strides = [1]} : vector<16xi32> to vector<1xi32>
      %squeeze3A_355 = vector.extract %slice3A_354[0] : i32 from vector<1xi32>
      %dma_start3A_356 = arith.constant 0 : i32
      %dma_start3A_357 = tpu.memref_slice %arg6[%add3A_353, %dma_start3A_356] : memref<512x64xf32, #tpu.memory_space<vmem>> -> memref<1x64xf32, #tpu.memory_space<vmem>>
      %dma_start3A_358 = arith.constant 0 : i32
      %dma_start3A_359 = tpu.memref_slice %arg3[%squeeze3A_355, %dma_start3A_358] : memref<1000000x64xf32, #tpu.memory_space<hbm>> -> memref<1x64xf32, #tpu.memory_space<hbm>>
      %dma_start3A_360 = arith.constant 0 : i32
      %dma_start3A_361 = tpu.memref_slice %arg6[%add3A_353, %dma_start3A_360] : memref<512x64xf32, #tpu.memory_space<vmem>> -> memref<1x64xf32, #tpu.memory_space<vmem>>
      %dma_start3A_362 = arith.constant 0 : i32
      %dma_start3A_363 = tpu.memref_slice %arg3[%squeeze3A_355, %dma_start3A_362] : memref<1000000x64xf32, #tpu.memory_space<hbm>> -> memref<1x64xf32, #tpu.memory_space<hbm>>
      tpu.enqueue_dma source(%dma_start3A_363 : memref<1x64xf32, #tpu.memory_space<hbm>>) target(%dma_start3A_361 : memref<1x64xf32, #tpu.memory_space<vmem>>) target_semaphore(%arg7 : memref<!tpu.dma_semaphore, #tpu.memory_space<semaphore_mem>>)
      %mul3A_364 = arith.constant 2 : i32
      %mul3A_365 = arith.muli %mul3A_364, %scan3A_7 : i32
      %add3A_366 = arith.constant 1 : i32
      %add3A_367 = arith.addi %mul3A_365, %add3A_366 : i32
      %mul3A_368 = arith.constant 16 : i32
      %mul3A_369 = arith.muli %add3A_367, %mul3A_368 : i32
      %add3A_370 = arith.constant 3 : i32
      %add3A_371 = arith.addi %mul3A_369, %add3A_370 : i32
      %slice3A_372 = vector.extract_strided_slice %get3A_309 {offsets = [3], sizes = [1], strides = [1]} : vector<16xi32> to vector<1xi32>
      %squeeze3A_373 = vector.extract %slice3A_372[0] : i32 from vector<1xi32>
      %dma_start3A_374 = arith.constant 0 : i32
      %dma_start3A_375 = tpu.memref_slice %arg6[%add3A_371, %dma_start3A_374] : memref<512x64xf32, #tpu.memory_space<vmem>> -> memref<1x64xf32, #tpu.memory_space<vmem>>
      %dma_start3A_376 = arith.constant 0 : i32
      %dma_start3A_377 = tpu.memref_slice %arg3[%squeeze3A_373, %dma_start3A_376] : memref<1000000x64xf32, #tpu.memory_space<hbm>> -> memref<1x64xf32, #tpu.memory_space<hbm>>
      %dma_start3A_378 = arith.constant 0 : i32
      %dma_start3A_379 = tpu.memref_slice %arg6[%add3A_371, %dma_start3A_378] : memref<512x64xf32, #tpu.memory_space<vmem>> -> memref<1x64xf32, #tpu.memory_space<vmem>>
      %dma_start3A_380 = arith.constant 0 : i32
      %dma_start3A_381 = tpu.memref_slice %arg3[%squeeze3A_373, %dma_start3A_380] : memref<1000000x64xf32, #tpu.memory_space<hbm>> -> memref<1x64xf32, #tpu.memory_space<hbm>>
      tpu.enqueue_dma source(%dma_start3A_381 : memref<1x64xf32, #tpu.memory_space<hbm>>) target(%dma_start3A_379 : memref<1x64xf32, #tpu.memory_space<vmem>>) target_semaphore(%arg7 : memref<!tpu.dma_semaphore, #tpu.memory_space<semaphore_mem>>)
      %mul3A_382 = arith.constant 2 : i32
      %mul3A_383 = arith.muli %mul3A_382, %scan3A_7 : i32
      %add3A_384 = arith.constant 1 : i32
      %add3A_385 = arith.addi %mul3A_383, %add3A_384 : i32
      %mul3A_386 = arith.constant 16 : i32
      %mul3A_387 = arith.muli %add3A_385, %mul3A_386 : i32
      %add3A_388 = arith.constant 4 : i32
      %add3A_389 = arith.addi %mul3A_387, %add3A_388 : i32
      %slice3A_390 = vector.extract_strided_slice %get3A_309 {offsets = [4], sizes = [1], strides = [1]} : vector<16xi32> to vector<1xi32>
      %squeeze3A_391 = vector.extract %slice3A_390[0] : i32 from vector<1xi32>
      %dma_start3A_392 = arith.constant 0 : i32
      %dma_start3A_393 = tpu.memref_slice %arg6[%add3A_389, %dma_start3A_392] : memref<512x64xf32, #tpu.memory_space<vmem>> -> memref<1x64xf32, #tpu.memory_space<vmem>>
      %dma_start3A_394 = arith.constant 0 : i32
      %dma_start3A_395 = tpu.memref_slice %arg3[%squeeze3A_391, %dma_start3A_394] : memref<1000000x64xf32, #tpu.memory_space<hbm>> -> memref<1x64xf32, #tpu.memory_space<hbm>>
      %dma_start3A_396 = arith.constant 0 : i32
      %dma_start3A_397 = tpu.memref_slice %arg6[%add3A_389, %dma_start3A_396] : memref<512x64xf32, #tpu.memory_space<vmem>> -> memref<1x64xf32, #tpu.memory_space<vmem>>
      %dma_start3A_398 = arith.constant 0 : i32
      %dma_start3A_399 = tpu.memref_slice %arg3[%squeeze3A_391, %dma_start3A_398] : memref<1000000x64xf32, #tpu.memory_space<hbm>> -> memref<1x64xf32, #tpu.memory_space<hbm>>
      tpu.enqueue_dma source(%dma_start3A_399 : memref<1x64xf32, #tpu.memory_space<hbm>>) target(%dma_start3A_397 : memref<1x64xf32, #tpu.memory_space<vmem>>) target_semaphore(%arg7 : memref<!tpu.dma_semaphore, #tpu.memory_space<semaphore_mem>>)
      %mul3A_400 = arith.constant 2 : i32
      %mul3A_401 = arith.muli %mul3A_400, %scan3A_7 : i32
      %add3A_402 = arith.constant 1 : i32
      %add3A_403 = arith.addi %mul3A_401, %add3A_402 : i32
      %mul3A_404 = arith.constant 16 : i32
      %mul3A_405 = arith.muli %add3A_403, %mul3A_404 : i32
      %add3A_406 = arith.constant 5 : i32
      %add3A_407 = arith.addi %mul3A_405, %add3A_406 : i32
      %slice3A_408 = vector.extract_strided_slice %get3A_309 {offsets = [5], sizes = [1], strides = [1]} : vector<16xi32> to vector<1xi32>
      %squeeze3A_409 = vector.extract %slice3A_408[0] : i32 from vector<1xi32>
      %dma_start3A_410 = arith.constant 0 : i32
      %dma_start3A_411 = tpu.memref_slice %arg6[%add3A_407, %dma_start3A_410] : memref<512x64xf32, #tpu.memory_space<vmem>> -> memref<1x64xf32, #tpu.memory_space<vmem>>
      %dma_start3A_412 = arith.constant 0 : i32
      %dma_start3A_413 = tpu.memref_slice %arg3[%squeeze3A_409, %dma_start3A_412] : memref<1000000x64xf32, #tpu.memory_space<hbm>> -> memref<1x64xf32, #tpu.memory_space<hbm>>
      %dma_start3A_414 = arith.constant 0 : i32
      %dma_start3A_415 = tpu.memref_slice %arg6[%add3A_407, %dma_start3A_414] : memref<512x64xf32, #tpu.memory_space<vmem>> -> memref<1x64xf32, #tpu.memory_space<vmem>>
      %dma_start3A_416 = arith.constant 0 : i32
      %dma_start3A_417 = tpu.memref_slice %arg3[%squeeze3A_409, %dma_start3A_416] : memref<1000000x64xf32, #tpu.memory_space<hbm>> -> memref<1x64xf32, #tpu.memory_space<hbm>>
      tpu.enqueue_dma source(%dma_start3A_417 : memref<1x64xf32, #tpu.memory_space<hbm>>) target(%dma_start3A_415 : memref<1x64xf32, #tpu.memory_space<vmem>>) target_semaphore(%arg7 : memref<!tpu.dma_semaphore, #tpu.memory_space<semaphore_mem>>)
      %mul3A_418 = arith.constant 2 : i32
      %mul3A_419 = arith.muli %mul3A_418, %scan3A_7 : i32
      %add3A_420 = arith.constant 1 : i32
      %add3A_421 = arith.addi %mul3A_419, %add3A_420 : i32
      %mul3A_422 = arith.constant 16 : i32
      %mul3A_423 = arith.muli %add3A_421, %mul3A_422 : i32
      %add3A_424 = arith.constant 6 : i32
      %add3A_425 = arith.addi %mul3A_423, %add3A_424 : i32
      %slice3A_426 = vector.extract_strided_slice %get3A_309 {offsets = [6], sizes = [1], strides = [1]} : vector<16xi32> to vector<1xi32>
      %squeeze3A_427 = vector.extract %slice3A_426[0] : i32 from vector<1xi32>
      %dma_start3A_428 = arith.constant 0 : i32
      %dma_start3A_429 = tpu.memref_slice %arg6[%add3A_425, %dma_start3A_428] : memref<512x64xf32, #tpu.memory_space<vmem>> -> memref<1x64xf32, #tpu.memory_space<vmem>>
      %dma_start3A_430 = arith.constant 0 : i32
      %dma_start3A_431 = tpu.memref_slice %arg3[%squeeze3A_427, %dma_start3A_430] : memref<1000000x64xf32, #tpu.memory_space<hbm>> -> memref<1x64xf32, #tpu.memory_space<hbm>>
      %dma_start3A_432 = arith.constant 0 : i32
      %dma_start3A_433 = tpu.memref_slice %arg6[%add3A_425, %dma_start3A_432] : memref<512x64xf32, #tpu.memory_space<vmem>> -> memref<1x64xf32, #tpu.memory_space<vmem>>
      %dma_start3A_434 = arith.constant 0 : i32
      %dma_start3A_435 = tpu.memref_slice %arg3[%squeeze3A_427, %dma_start3A_434] : memref<1000000x64xf32, #tpu.memory_space<hbm>> -> memref<1x64xf32, #tpu.memory_space<hbm>>
      tpu.enqueue_dma source(%dma_start3A_435 : memref<1x64xf32, #tpu.memory_space<hbm>>) target(%dma_start3A_433 : memref<1x64xf32, #tpu.memory_space<vmem>>) target_semaphore(%arg7 : memref<!tpu.dma_semaphore, #tpu.memory_space<semaphore_mem>>)
      %mul3A_436 = arith.constant 2 : i32
      %mul3A_437 = arith.muli %mul3A_436, %scan3A_7 : i32
      %add3A_438 = arith.constant 1 : i32
      %add3A_439 = arith.addi %mul3A_437, %add3A_438 : i32
      %mul3A_440 = arith.constant 16 : i32
      %mul3A_441 = arith.muli %add3A_439, %mul3A_440 : i32
      %add3A_442 = arith.constant 7 : i32
      %add3A_443 = arith.addi %mul3A_441, %add3A_442 : i32
      %slice3A_444 = vector.extract_strided_slice %get3A_309 {offsets = [7], sizes = [1], strides = [1]} : vector<16xi32> to vector<1xi32>
      %squeeze3A_445 = vector.extract %slice3A_444[0] : i32 from vector<1xi32>
      %dma_start3A_446 = arith.constant 0 : i32
      %dma_start3A_447 = tpu.memref_slice %arg6[%add3A_443, %dma_start3A_446] : memref<512x64xf32, #tpu.memory_space<vmem>> -> memref<1x64xf32, #tpu.memory_space<vmem>>
      %dma_start3A_448 = arith.constant 0 : i32
      %dma_start3A_449 = tpu.memref_slice %arg3[%squeeze3A_445, %dma_start3A_448] : memref<1000000x64xf32, #tpu.memory_space<hbm>> -> memref<1x64xf32, #tpu.memory_space<hbm>>
      %dma_start3A_450 = arith.constant 0 : i32
      %dma_start3A_451 = tpu.memref_slice %arg6[%add3A_443, %dma_start3A_450] : memref<512x64xf32, #tpu.memory_space<vmem>> -> memref<1x64xf32, #tpu.memory_space<vmem>>
      %dma_start3A_452 = arith.constant 0 : i32
      %dma_start3A_453 = tpu.memref_slice %arg3[%squeeze3A_445, %dma_start3A_452] : memref<1000000x64xf32, #tpu.memory_space<hbm>> -> memref<1x64xf32, #tpu.memory_space<hbm>>
      tpu.enqueue_dma source(%dma_start3A_453 : memref<1x64xf32, #tpu.memory_space<hbm>>) target(%dma_start3A_451 : memref<1x64xf32, #tpu.memory_space<vmem>>) target_semaphore(%arg7 : memref<!tpu.dma_semaphore, #tpu.memory_space<semaphore_mem>>)
      %mul3A_454 = arith.constant 2 : i32
      %mul3A_455 = arith.muli %mul3A_454, %scan3A_7 : i32
      %add3A_456 = arith.constant 1 : i32
      %add3A_457 = arith.addi %mul3A_455, %add3A_456 : i32
      %mul3A_458 = arith.constant 16 : i32
      %mul3A_459 = arith.muli %add3A_457, %mul3A_458 : i32
      %add3A_460 = arith.constant 8 : i32
      %add3A_461 = arith.addi %mul3A_459, %add3A_460 : i32
      %slice3A_462 = vector.extract_strided_slice %get3A_309 {offsets = [8], sizes = [1], strides = [1]} : vector<16xi32> to vector<1xi32>
      %squeeze3A_463 = vector.extract %slice3A_462[0] : i32 from vector<1xi32>
      %dma_start3A_464 = arith.constant 0 : i32
      %dma_start3A_465 = tpu.memref_slice %arg6[%add3A_461, %dma_start3A_464] : memref<512x64xf32, #tpu.memory_space<vmem>> -> memref<1x64xf32, #tpu.memory_space<vmem>>
      %dma_start3A_466 = arith.constant 0 : i32
      %dma_start3A_467 = tpu.memref_slice %arg3[%squeeze3A_463, %dma_start3A_466] : memref<1000000x64xf32, #tpu.memory_space<hbm>> -> memref<1x64xf32, #tpu.memory_space<hbm>>
      %dma_start3A_468 = arith.constant 0 : i32
      %dma_start3A_469 = tpu.memref_slice %arg6[%add3A_461, %dma_start3A_468] : memref<512x64xf32, #tpu.memory_space<vmem>> -> memref<1x64xf32, #tpu.memory_space<vmem>>
      %dma_start3A_470 = arith.constant 0 : i32
      %dma_start3A_471 = tpu.memref_slice %arg3[%squeeze3A_463, %dma_start3A_470] : memref<1000000x64xf32, #tpu.memory_space<hbm>> -> memref<1x64xf32, #tpu.memory_space<hbm>>
      tpu.enqueue_dma source(%dma_start3A_471 : memref<1x64xf32, #tpu.memory_space<hbm>>) target(%dma_start3A_469 : memref<1x64xf32, #tpu.memory_space<vmem>>) target_semaphore(%arg7 : memref<!tpu.dma_semaphore, #tpu.memory_space<semaphore_mem>>)
      %mul3A_472 = arith.constant 2 : i32
      %mul3A_473 = arith.muli %mul3A_472, %scan3A_7 : i32
      %add3A_474 = arith.constant 1 : i32
      %add3A_475 = arith.addi %mul3A_473, %add3A_474 : i32
      %mul3A_476 = arith.constant 16 : i32
      %mul3A_477 = arith.muli %add3A_475, %mul3A_476 : i32
      %add3A_478 = arith.constant 9 : i32
      %add3A_479 = arith.addi %mul3A_477, %add3A_478 : i32
      %slice3A_480 = vector.extract_strided_slice %get3A_309 {offsets = [9], sizes = [1], strides = [1]} : vector<16xi32> to vector<1xi32>
      %squeeze3A_481 = vector.extract %slice3A_480[0] : i32 from vector<1xi32>
      %dma_start3A_482 = arith.constant 0 : i32
      %dma_start3A_483 = tpu.memref_slice %arg6[%add3A_479, %dma_start3A_482] : memref<512x64xf32, #tpu.memory_space<vmem>> -> memref<1x64xf32, #tpu.memory_space<vmem>>
      %dma_start3A_484 = arith.constant 0 : i32
      %dma_start3A_485 = tpu.memref_slice %arg3[%squeeze3A_481, %dma_start3A_484] : memref<1000000x64xf32, #tpu.memory_space<hbm>> -> memref<1x64xf32, #tpu.memory_space<hbm>>
      %dma_start3A_486 = arith.constant 0 : i32
      %dma_start3A_487 = tpu.memref_slice %arg6[%add3A_479, %dma_start3A_486] : memref<512x64xf32, #tpu.memory_space<vmem>> -> memref<1x64xf32, #tpu.memory_space<vmem>>
      %dma_start3A_488 = arith.constant 0 : i32
      %dma_start3A_489 = tpu.memref_slice %arg3[%squeeze3A_481, %dma_start3A_488] : memref<1000000x64xf32, #tpu.memory_space<hbm>> -> memref<1x64xf32, #tpu.memory_space<hbm>>
      tpu.enqueue_dma source(%dma_start3A_489 : memref<1x64xf32, #tpu.memory_space<hbm>>) target(%dma_start3A_487 : memref<1x64xf32, #tpu.memory_space<vmem>>) target_semaphore(%arg7 : memref<!tpu.dma_semaphore, #tpu.memory_space<semaphore_mem>>)
      %mul3A_490 = arith.constant 2 : i32
      %mul3A_491 = arith.muli %mul3A_490, %scan3A_7 : i32
      %add3A_492 = arith.constant 1 : i32
      %add3A_493 = arith.addi %mul3A_491, %add3A_492 : i32
      %mul3A_494 = arith.constant 16 : i32
      %mul3A_495 = arith.muli %add3A_493, %mul3A_494 : i32
      %add3A_496 = arith.constant 10 : i32
      %add3A_497 = arith.addi %mul3A_495, %add3A_496 : i32
      %slice3A_498 = vector.extract_strided_slice %get3A_309 {offsets = [10], sizes = [1], strides = [1]} : vector<16xi32> to vector<1xi32>
      %squeeze3A_499 = vector.extract %slice3A_498[0] : i32 from vector<1xi32>
      %dma_start3A_500 = arith.constant 0 : i32
      %dma_start3A_501 = tpu.memref_slice %arg6[%add3A_497, %dma_start3A_500] : memref<512x64xf32, #tpu.memory_space<vmem>> -> memref<1x64xf32, #tpu.memory_space<vmem>>
      %dma_start3A_502 = arith.constant 0 : i32
      %dma_start3A_503 = tpu.memref_slice %arg3[%squeeze3A_499, %dma_start3A_502] : memref<1000000x64xf32, #tpu.memory_space<hbm>> -> memref<1x64xf32, #tpu.memory_space<hbm>>
      %dma_start3A_504 = arith.constant 0 : i32
      %dma_start3A_505 = tpu.memref_slice %arg6[%add3A_497, %dma_start3A_504] : memref<512x64xf32, #tpu.memory_space<vmem>> -> memref<1x64xf32, #tpu.memory_space<vmem>>
      %dma_start3A_506 = arith.constant 0 : i32
      %dma_start3A_507 = tpu.memref_slice %arg3[%squeeze3A_499, %dma_start3A_506] : memref<1000000x64xf32, #tpu.memory_space<hbm>> -> memref<1x64xf32, #tpu.memory_space<hbm>>
      tpu.enqueue_dma source(%dma_start3A_507 : memref<1x64xf32, #tpu.memory_space<hbm>>) target(%dma_start3A_505 : memref<1x64xf32, #tpu.memory_space<vmem>>) target_semaphore(%arg7 : memref<!tpu.dma_semaphore, #tpu.memory_space<semaphore_mem>>)
      %mul3A_508 = arith.constant 2 : i32
      %mul3A_509 = arith.muli %mul3A_508, %scan3A_7 : i32
      %add3A_510 = arith.constant 1 : i32
      %add3A_511 = arith.addi %mul3A_509, %add3A_510 : i32
      %mul3A_512 = arith.constant 16 : i32
      %mul3A_513 = arith.muli %add3A_511, %mul3A_512 : i32
      %add3A_514 = arith.constant 11 : i32
      %add3A_515 = arith.addi %mul3A_513, %add3A_514 : i32
      %slice3A_516 = vector.extract_strided_slice %get3A_309 {offsets = [11], sizes = [1], strides = [1]} : vector<16xi32> to vector<1xi32>
      %squeeze3A_517 = vector.extract %slice3A_516[0] : i32 from vector<1xi32>
      %dma_start3A_518 = arith.constant 0 : i32
      %dma_start3A_519 = tpu.memref_slice %arg6[%add3A_515, %dma_start3A_518] : memref<512x64xf32, #tpu.memory_space<vmem>> -> memref<1x64xf32, #tpu.memory_space<vmem>>
      %dma_start3A_520 = arith.constant 0 : i32
      %dma_start3A_521 = tpu.memref_slice %arg3[%squeeze3A_517, %dma_start3A_520] : memref<1000000x64xf32, #tpu.memory_space<hbm>> -> memref<1x64xf32, #tpu.memory_space<hbm>>
      %dma_start3A_522 = arith.constant 0 : i32
      %dma_start3A_523 = tpu.memref_slice %arg6[%add3A_515, %dma_start3A_522] : memref<512x64xf32, #tpu.memory_space<vmem>> -> memref<1x64xf32, #tpu.memory_space<vmem>>
      %dma_start3A_524 = arith.constant 0 : i32
      %dma_start3A_525 = tpu.memref_slice %arg3[%squeeze3A_517, %dma_start3A_524] : memref<1000000x64xf32, #tpu.memory_space<hbm>> -> memref<1x64xf32, #tpu.memory_space<hbm>>
      tpu.enqueue_dma source(%dma_start3A_525 : memref<1x64xf32, #tpu.memory_space<hbm>>) target(%dma_start3A_523 : memref<1x64xf32, #tpu.memory_space<vmem>>) target_semaphore(%arg7 : memref<!tpu.dma_semaphore, #tpu.memory_space<semaphore_mem>>)
      %mul3A_526 = arith.constant 2 : i32
      %mul3A_527 = arith.muli %mul3A_526, %scan3A_7 : i32
      %add3A_528 = arith.constant 1 : i32
      %add3A_529 = arith.addi %mul3A_527, %add3A_528 : i32
      %mul3A_530 = arith.constant 16 : i32
      %mul3A_531 = arith.muli %add3A_529, %mul3A_530 : i32
      %add3A_532 = arith.constant 12 : i32
      %add3A_533 = arith.addi %mul3A_531, %add3A_532 : i32
      %slice3A_534 = vector.extract_strided_slice %get3A_309 {offsets = [12], sizes = [1], strides = [1]} : vector<16xi32> to vector<1xi32>
      %squeeze3A_535 = vector.extract %slice3A_534[0] : i32 from vector<1xi32>
      %dma_start3A_536 = arith.constant 0 : i32
      %dma_start3A_537 = tpu.memref_slice %arg6[%add3A_533, %dma_start3A_536] : memref<512x64xf32, #tpu.memory_space<vmem>> -> memref<1x64xf32, #tpu.memory_space<vmem>>
      %dma_start3A_538 = arith.constant 0 : i32
      %dma_start3A_539 = tpu.memref_slice %arg3[%squeeze3A_535, %dma_start3A_538] : memref<1000000x64xf32, #tpu.memory_space<hbm>> -> memref<1x64xf32, #tpu.memory_space<hbm>>
      %dma_start3A_540 = arith.constant 0 : i32
      %dma_start3A_541 = tpu.memref_slice %arg6[%add3A_533, %dma_start3A_540] : memref<512x64xf32, #tpu.memory_space<vmem>> -> memref<1x64xf32, #tpu.memory_space<vmem>>
      %dma_start3A_542 = arith.constant 0 : i32
      %dma_start3A_543 = tpu.memref_slice %arg3[%squeeze3A_535, %dma_start3A_542] : memref<1000000x64xf32, #tpu.memory_space<hbm>> -> memref<1x64xf32, #tpu.memory_space<hbm>>
      tpu.enqueue_dma source(%dma_start3A_543 : memref<1x64xf32, #tpu.memory_space<hbm>>) target(%dma_start3A_541 : memref<1x64xf32, #tpu.memory_space<vmem>>) target_semaphore(%arg7 : memref<!tpu.dma_semaphore, #tpu.memory_space<semaphore_mem>>)
      %mul3A_544 = arith.constant 2 : i32
      %mul3A_545 = arith.muli %mul3A_544, %scan3A_7 : i32
      %add3A_546 = arith.constant 1 : i32
      %add3A_547 = arith.addi %mul3A_545, %add3A_546 : i32
      %mul3A_548 = arith.constant 16 : i32
      %mul3A_549 = arith.muli %add3A_547, %mul3A_548 : i32
      %add3A_550 = arith.constant 13 : i32
      %add3A_551 = arith.addi %mul3A_549, %add3A_550 : i32
      %slice3A_552 = vector.extract_strided_slice %get3A_309 {offsets = [13], sizes = [1], strides = [1]} : vector<16xi32> to vector<1xi32>
      %squeeze3A_553 = vector.extract %slice3A_552[0] : i32 from vector<1xi32>
      %dma_start3A_554 = arith.constant 0 : i32
      %dma_start3A_555 = tpu.memref_slice %arg6[%add3A_551, %dma_start3A_554] : memref<512x64xf32, #tpu.memory_space<vmem>> -> memref<1x64xf32, #tpu.memory_space<vmem>>
      %dma_start3A_556 = arith.constant 0 : i32
      %dma_start3A_557 = tpu.memref_slice %arg3[%squeeze3A_553, %dma_start3A_556] : memref<1000000x64xf32, #tpu.memory_space<hbm>> -> memref<1x64xf32, #tpu.memory_space<hbm>>
      %dma_start3A_558 = arith.constant 0 : i32
      %dma_start3A_559 = tpu.memref_slice %arg6[%add3A_551, %dma_start3A_558] : memref<512x64xf32, #tpu.memory_space<vmem>> -> memref<1x64xf32, #tpu.memory_space<vmem>>
      %dma_start3A_560 = arith.constant 0 : i32
      %dma_start3A_561 = tpu.memref_slice %arg3[%squeeze3A_553, %dma_start3A_560] : memref<1000000x64xf32, #tpu.memory_space<hbm>> -> memref<1x64xf32, #tpu.memory_space<hbm>>
      tpu.enqueue_dma source(%dma_start3A_561 : memref<1x64xf32, #tpu.memory_space<hbm>>) target(%dma_start3A_559 : memref<1x64xf32, #tpu.memory_space<vmem>>) target_semaphore(%arg7 : memref<!tpu.dma_semaphore, #tpu.memory_space<semaphore_mem>>)
      %mul3A_562 = arith.constant 2 : i32
      %mul3A_563 = arith.muli %mul3A_562, %scan3A_7 : i32
      %add3A_564 = arith.constant 1 : i32
      %add3A_565 = arith.addi %mul3A_563, %add3A_564 : i32
      %mul3A_566 = arith.constant 16 : i32
      %mul3A_567 = arith.muli %add3A_565, %mul3A_566 : i32
      %add3A_568 = arith.constant 14 : i32
      %add3A_569 = arith.addi %mul3A_567, %add3A_568 : i32
      %slice3A_570 = vector.extract_strided_slice %get3A_309 {offsets = [14], sizes = [1], strides = [1]} : vector<16xi32> to vector<1xi32>
      %squeeze3A_571 = vector.extract %slice3A_570[0] : i32 from vector<1xi32>
      %dma_start3A_572 = arith.constant 0 : i32
      %dma_start3A_573 = tpu.memref_slice %arg6[%add3A_569, %dma_start3A_572] : memref<512x64xf32, #tpu.memory_space<vmem>> -> memref<1x64xf32, #tpu.memory_space<vmem>>
      %dma_start3A_574 = arith.constant 0 : i32
      %dma_start3A_575 = tpu.memref_slice %arg3[%squeeze3A_571, %dma_start3A_574] : memref<1000000x64xf32, #tpu.memory_space<hbm>> -> memref<1x64xf32, #tpu.memory_space<hbm>>
      %dma_start3A_576 = arith.constant 0 : i32
      %dma_start3A_577 = tpu.memref_slice %arg6[%add3A_569, %dma_start3A_576] : memref<512x64xf32, #tpu.memory_space<vmem>> -> memref<1x64xf32, #tpu.memory_space<vmem>>
      %dma_start3A_578 = arith.constant 0 : i32
      %dma_start3A_579 = tpu.memref_slice %arg3[%squeeze3A_571, %dma_start3A_578] : memref<1000000x64xf32, #tpu.memory_space<hbm>> -> memref<1x64xf32, #tpu.memory_space<hbm>>
      tpu.enqueue_dma source(%dma_start3A_579 : memref<1x64xf32, #tpu.memory_space<hbm>>) target(%dma_start3A_577 : memref<1x64xf32, #tpu.memory_space<vmem>>) target_semaphore(%arg7 : memref<!tpu.dma_semaphore, #tpu.memory_space<semaphore_mem>>)
      %mul3A_580 = arith.constant 2 : i32
      %mul3A_581 = arith.muli %mul3A_580, %scan3A_7 : i32
      %add3A_582 = arith.constant 1 : i32
      %add3A_583 = arith.addi %mul3A_581, %add3A_582 : i32
      %mul3A_584 = arith.constant 16 : i32
      %mul3A_585 = arith.muli %add3A_583, %mul3A_584 : i32
      %add3A_586 = arith.constant 15 : i32
      %add3A_587 = arith.addi %mul3A_585, %add3A_586 : i32
      %slice3A_588 = vector.extract_strided_slice %get3A_309 {offsets = [15], sizes = [1], strides = [1]} : vector<16xi32> to vector<1xi32>
      %squeeze3A_589 = vector.extract %slice3A_588[0] : i32 from vector<1xi32>
      %dma_start3A_590 = arith.constant 0 : i32
      %dma_start3A_591 = tpu.memref_slice %arg6[%add3A_587, %dma_start3A_590] : memref<512x64xf32, #tpu.memory_space<vmem>> -> memref<1x64xf32, #tpu.memory_space<vmem>>
      %dma_start3A_592 = arith.constant 0 : i32
      %dma_start3A_593 = tpu.memref_slice %arg3[%squeeze3A_589, %dma_start3A_592] : memref<1000000x64xf32, #tpu.memory_space<hbm>> -> memref<1x64xf32, #tpu.memory_space<hbm>>
      %dma_start3A_594 = arith.constant 0 : i32
      %dma_start3A_595 = tpu.memref_slice %arg6[%add3A_587, %dma_start3A_594] : memref<512x64xf32, #tpu.memory_space<vmem>> -> memref<1x64xf32, #tpu.memory_space<vmem>>
      %dma_start3A_596 = arith.constant 0 : i32
      %dma_start3A_597 = tpu.memref_slice %arg3[%squeeze3A_589, %dma_start3A_596] : memref<1000000x64xf32, #tpu.memory_space<hbm>> -> memref<1x64xf32, #tpu.memory_space<hbm>>
      tpu.enqueue_dma source(%dma_start3A_597 : memref<1x64xf32, #tpu.memory_space<hbm>>) target(%dma_start3A_595 : memref<1x64xf32, #tpu.memory_space<vmem>>) target_semaphore(%arg7 : memref<!tpu.dma_semaphore, #tpu.memory_space<semaphore_mem>>)
      %dma_wait3A = arith.constant 0 : i32
      %dma_wait3A_598 = tpu.memref_slice %arg6[%add3A_23, %dma_wait3A] : memref<512x64xf32, #tpu.memory_space<vmem>> -> memref<1x64xf32, #tpu.memory_space<vmem>>
      %dma_wait3A_599 = arith.constant 0 : i32
      %dma_wait3A_600 = tpu.memref_slice %arg3[%squeeze3A, %dma_wait3A_599] : memref<1000000x64xf32, #tpu.memory_space<hbm>> -> memref<1x64xf32, #tpu.memory_space<hbm>>
      %dma_wait3A_601 = arith.constant 0 : i32
      %dma_wait3A_602 = tpu.memref_slice %arg6[%add3A_23, %dma_wait3A_601] : memref<512x64xf32, #tpu.memory_space<vmem>> -> memref<1x64xf32, #tpu.memory_space<vmem>>
      %dma_wait3A_603 = arith.constant 0 : i32
      %dma_wait3A_604 = tpu.memref_slice %arg3[%squeeze3A, %dma_wait3A_603] : memref<1000000x64xf32, #tpu.memory_space<hbm>> -> memref<1x64xf32, #tpu.memory_space<hbm>>
      tpu.wait_dma2 semaphore(%arg7 : memref<!tpu.dma_semaphore, #tpu.memory_space<semaphore_mem>>) src(%dma_wait3A_604 : memref<1x64xf32, #tpu.memory_space<hbm>>) dst(%dma_wait3A_602 : memref<1x64xf32, #tpu.memory_space<vmem>>)
      %dma_wait3A_605 = arith.constant 0 : i32
      %dma_wait3A_606 = tpu.memref_slice %arg6[%add3A_38, %dma_wait3A_605] : memref<512x64xf32, #tpu.memory_space<vmem>> -> memref<1x64xf32, #tpu.memory_space<vmem>>
      %dma_wait3A_607 = arith.constant 0 : i32
      %dma_wait3A_608 = tpu.memref_slice %arg3[%squeeze3A_40, %dma_wait3A_607] : memref<1000000x64xf32, #tpu.memory_space<hbm>> -> memref<1x64xf32, #tpu.memory_space<hbm>>
      %dma_wait3A_609 = arith.constant 0 : i32
      %dma_wait3A_610 = tpu.memref_slice %arg6[%add3A_38, %dma_wait3A_609] : memref<512x64xf32, #tpu.memory_space<vmem>> -> memref<1x64xf32, #tpu.memory_space<vmem>>
      %dma_wait3A_611 = arith.constant 0 : i32
      %dma_wait3A_612 = tpu.memref_slice %arg3[%squeeze3A_40, %dma_wait3A_611] : memref<1000000x64xf32, #tpu.memory_space<hbm>> -> memref<1x64xf32, #tpu.memory_space<hbm>>
      tpu.wait_dma2 semaphore(%arg7 : memref<!tpu.dma_semaphore, #tpu.memory_space<semaphore_mem>>) src(%dma_wait3A_612 : memref<1x64xf32, #tpu.memory_space<hbm>>) dst(%dma_wait3A_610 : memref<1x64xf32, #tpu.memory_space<vmem>>)
      %dma_wait3A_613 = arith.constant 0 : i32
      %dma_wait3A_614 = tpu.memref_slice %arg6[%add3A_56, %dma_wait3A_613] : memref<512x64xf32, #tpu.memory_space<vmem>> -> memref<1x64xf32, #tpu.memory_space<vmem>>
      %dma_wait3A_615 = arith.constant 0 : i32
      %dma_wait3A_616 = tpu.memref_slice %arg3[%squeeze3A_58, %dma_wait3A_615] : memref<1000000x64xf32, #tpu.memory_space<hbm>> -> memref<1x64xf32, #tpu.memory_space<hbm>>
      %dma_wait3A_617 = arith.constant 0 : i32
      %dma_wait3A_618 = tpu.memref_slice %arg6[%add3A_56, %dma_wait3A_617] : memref<512x64xf32, #tpu.memory_space<vmem>> -> memref<1x64xf32, #tpu.memory_space<vmem>>
      %dma_wait3A_619 = arith.constant 0 : i32
      %dma_wait3A_620 = tpu.memref_slice %arg3[%squeeze3A_58, %dma_wait3A_619] : memref<1000000x64xf32, #tpu.memory_space<hbm>> -> memref<1x64xf32, #tpu.memory_space<hbm>>
      tpu.wait_dma2 semaphore(%arg7 : memref<!tpu.dma_semaphore, #tpu.memory_space<semaphore_mem>>) src(%dma_wait3A_620 : memref<1x64xf32, #tpu.memory_space<hbm>>) dst(%dma_wait3A_618 : memref<1x64xf32, #tpu.memory_space<vmem>>)
      %dma_wait3A_621 = arith.constant 0 : i32
      %dma_wait3A_622 = tpu.memref_slice %arg6[%add3A_74, %dma_wait3A_621] : memref<512x64xf32, #tpu.memory_space<vmem>> -> memref<1x64xf32, #tpu.memory_space<vmem>>
      %dma_wait3A_623 = arith.constant 0 : i32
      %dma_wait3A_624 = tpu.memref_slice %arg3[%squeeze3A_76, %dma_wait3A_623] : memref<1000000x64xf32, #tpu.memory_space<hbm>> -> memref<1x64xf32, #tpu.memory_space<hbm>>
      %dma_wait3A_625 = arith.constant 0 : i32
      %dma_wait3A_626 = tpu.memref_slice %arg6[%add3A_74, %dma_wait3A_625] : memref<512x64xf32, #tpu.memory_space<vmem>> -> memref<1x64xf32, #tpu.memory_space<vmem>>
      %dma_wait3A_627 = arith.constant 0 : i32
      %dma_wait3A_628 = tpu.memref_slice %arg3[%squeeze3A_76, %dma_wait3A_627] : memref<1000000x64xf32, #tpu.memory_space<hbm>> -> memref<1x64xf32, #tpu.memory_space<hbm>>
      tpu.wait_dma2 semaphore(%arg7 : memref<!tpu.dma_semaphore, #tpu.memory_space<semaphore_mem>>) src(%dma_wait3A_628 : memref<1x64xf32, #tpu.memory_space<hbm>>) dst(%dma_wait3A_626 : memref<1x64xf32, #tpu.memory_space<vmem>>)
      %dma_wait3A_629 = arith.constant 0 : i32
      %dma_wait3A_630 = tpu.memref_slice %arg6[%add3A_92, %dma_wait3A_629] : memref<512x64xf32, #tpu.memory_space<vmem>> -> memref<1x64xf32, #tpu.memory_space<vmem>>
      %dma_wait3A_631 = arith.constant 0 : i32
      %dma_wait3A_632 = tpu.memref_slice %arg3[%squeeze3A_94, %dma_wait3A_631] : memref<1000000x64xf32, #tpu.memory_space<hbm>> -> memref<1x64xf32, #tpu.memory_space<hbm>>
      %dma_wait3A_633 = arith.constant 0 : i32
      %dma_wait3A_634 = tpu.memref_slice %arg6[%add3A_92, %dma_wait3A_633] : memref<512x64xf32, #tpu.memory_space<vmem>> -> memref<1x64xf32, #tpu.memory_space<vmem>>
      %dma_wait3A_635 = arith.constant 0 : i32
      %dma_wait3A_636 = tpu.memref_slice %arg3[%squeeze3A_94, %dma_wait3A_635] : memref<1000000x64xf32, #tpu.memory_space<hbm>> -> memref<1x64xf32, #tpu.memory_space<hbm>>
      tpu.wait_dma2 semaphore(%arg7 : memref<!tpu.dma_semaphore, #tpu.memory_space<semaphore_mem>>) src(%dma_wait3A_636 : memref<1x64xf32, #tpu.memory_space<hbm>>) dst(%dma_wait3A_634 : memref<1x64xf32, #tpu.memory_space<vmem>>)
      %dma_wait3A_637 = arith.constant 0 : i32
      %dma_wait3A_638 = tpu.memref_slice %arg6[%add3A_110, %dma_wait3A_637] : memref<512x64xf32, #tpu.memory_space<vmem>> -> memref<1x64xf32, #tpu.memory_space<vmem>>
      %dma_wait3A_639 = arith.constant 0 : i32
      %dma_wait3A_640 = tpu.memref_slice %arg3[%squeeze3A_112, %dma_wait3A_639] : memref<1000000x64xf32, #tpu.memory_space<hbm>> -> memref<1x64xf32, #tpu.memory_space<hbm>>
      %dma_wait3A_641 = arith.constant 0 : i32
      %dma_wait3A_642 = tpu.memref_slice %arg6[%add3A_110, %dma_wait3A_641] : memref<512x64xf32, #tpu.memory_space<vmem>> -> memref<1x64xf32, #tpu.memory_space<vmem>>
      %dma_wait3A_643 = arith.constant 0 : i32
      %dma_wait3A_644 = tpu.memref_slice %arg3[%squeeze3A_112, %dma_wait3A_643] : memref<1000000x64xf32, #tpu.memory_space<hbm>> -> memref<1x64xf32, #tpu.memory_space<hbm>>
      tpu.wait_dma2 semaphore(%arg7 : memref<!tpu.dma_semaphore, #tpu.memory_space<semaphore_mem>>) src(%dma_wait3A_644 : memref<1x64xf32, #tpu.memory_space<hbm>>) dst(%dma_wait3A_642 : memref<1x64xf32, #tpu.memory_space<vmem>>)
      %dma_wait3A_645 = arith.constant 0 : i32
      %dma_wait3A_646 = tpu.memref_slice %arg6[%add3A_128, %dma_wait3A_645] : memref<512x64xf32, #tpu.memory_space<vmem>> -> memref<1x64xf32, #tpu.memory_space<vmem>>
      %dma_wait3A_647 = arith.constant 0 : i32
      %dma_wait3A_648 = tpu.memref_slice %arg3[%squeeze3A_130, %dma_wait3A_647] : memref<1000000x64xf32, #tpu.memory_space<hbm>> -> memref<1x64xf32, #tpu.memory_space<hbm>>
      %dma_wait3A_649 = arith.constant 0 : i32
      %dma_wait3A_650 = tpu.memref_slice %arg6[%add3A_128, %dma_wait3A_649] : memref<512x64xf32, #tpu.memory_space<vmem>> -> memref<1x64xf32, #tpu.memory_space<vmem>>
      %dma_wait3A_651 = arith.constant 0 : i32
      %dma_wait3A_652 = tpu.memref_slice %arg3[%squeeze3A_130, %dma_wait3A_651] : memref<1000000x64xf32, #tpu.memory_space<hbm>> -> memref<1x64xf32, #tpu.memory_space<hbm>>
      tpu.wait_dma2 semaphore(%arg7 : memref<!tpu.dma_semaphore, #tpu.memory_space<semaphore_mem>>) src(%dma_wait3A_652 : memref<1x64xf32, #tpu.memory_space<hbm>>) dst(%dma_wait3A_650 : memref<1x64xf32, #tpu.memory_space<vmem>>)
      %dma_wait3A_653 = arith.constant 0 : i32
      %dma_wait3A_654 = tpu.memref_slice %arg6[%add3A_146, %dma_wait3A_653] : memref<512x64xf32, #tpu.memory_space<vmem>> -> memref<1x64xf32, #tpu.memory_space<vmem>>
      %dma_wait3A_655 = arith.constant 0 : i32
      %dma_wait3A_656 = tpu.memref_slice %arg3[%squeeze3A_148, %dma_wait3A_655] : memref<1000000x64xf32, #tpu.memory_space<hbm>> -> memref<1x64xf32, #tpu.memory_space<hbm>>
      %dma_wait3A_657 = arith.constant 0 : i32
      %dma_wait3A_658 = tpu.memref_slice %arg6[%add3A_146, %dma_wait3A_657] : memref<512x64xf32, #tpu.memory_space<vmem>> -> memref<1x64xf32, #tpu.memory_space<vmem>>
      %dma_wait3A_659 = arith.constant 0 : i32
      %dma_wait3A_660 = tpu.memref_slice %arg3[%squeeze3A_148, %dma_wait3A_659] : memref<1000000x64xf32, #tpu.memory_space<hbm>> -> memref<1x64xf32, #tpu.memory_space<hbm>>
      tpu.wait_dma2 semaphore(%arg7 : memref<!tpu.dma_semaphore, #tpu.memory_space<semaphore_mem>>) src(%dma_wait3A_660 : memref<1x64xf32, #tpu.memory_space<hbm>>) dst(%dma_wait3A_658 : memref<1x64xf32, #tpu.memory_space<vmem>>)
      %dma_wait3A_661 = arith.constant 0 : i32
      %dma_wait3A_662 = tpu.memref_slice %arg6[%add3A_164, %dma_wait3A_661] : memref<512x64xf32, #tpu.memory_space<vmem>> -> memref<1x64xf32, #tpu.memory_space<vmem>>
      %dma_wait3A_663 = arith.constant 0 : i32
      %dma_wait3A_664 = tpu.memref_slice %arg3[%squeeze3A_166, %dma_wait3A_663] : memref<1000000x64xf32, #tpu.memory_space<hbm>> -> memref<1x64xf32, #tpu.memory_space<hbm>>
      %dma_wait3A_665 = arith.constant 0 : i32
      %dma_wait3A_666 = tpu.memref_slice %arg6[%add3A_164, %dma_wait3A_665] : memref<512x64xf32, #tpu.memory_space<vmem>> -> memref<1x64xf32, #tpu.memory_space<vmem>>
      %dma_wait3A_667 = arith.constant 0 : i32
      %dma_wait3A_668 = tpu.memref_slice %arg3[%squeeze3A_166, %dma_wait3A_667] : memref<1000000x64xf32, #tpu.memory_space<hbm>> -> memref<1x64xf32, #tpu.memory_space<hbm>>
      tpu.wait_dma2 semaphore(%arg7 : memref<!tpu.dma_semaphore, #tpu.memory_space<semaphore_mem>>) src(%dma_wait3A_668 : memref<1x64xf32, #tpu.memory_space<hbm>>) dst(%dma_wait3A_666 : memref<1x64xf32, #tpu.memory_space<vmem>>)
      %dma_wait3A_669 = arith.constant 0 : i32
      %dma_wait3A_670 = tpu.memref_slice %arg6[%add3A_182, %dma_wait3A_669] : memref<512x64xf32, #tpu.memory_space<vmem>> -> memref<1x64xf32, #tpu.memory_space<vmem>>
      %dma_wait3A_671 = arith.constant 0 : i32
      %dma_wait3A_672 = tpu.memref_slice %arg3[%squeeze3A_184, %dma_wait3A_671] : memref<1000000x64xf32, #tpu.memory_space<hbm>> -> memref<1x64xf32, #tpu.memory_space<hbm>>
      %dma_wait3A_673 = arith.constant 0 : i32
      %dma_wait3A_674 = tpu.memref_slice %arg6[%add3A_182, %dma_wait3A_673] : memref<512x64xf32, #tpu.memory_space<vmem>> -> memref<1x64xf32, #tpu.memory_space<vmem>>
      %dma_wait3A_675 = arith.constant 0 : i32
      %dma_wait3A_676 = tpu.memref_slice %arg3[%squeeze3A_184, %dma_wait3A_675] : memref<1000000x64xf32, #tpu.memory_space<hbm>> -> memref<1x64xf32, #tpu.memory_space<hbm>>
      tpu.wait_dma2 semaphore(%arg7 : memref<!tpu.dma_semaphore, #tpu.memory_space<semaphore_mem>>) src(%dma_wait3A_676 : memref<1x64xf32, #tpu.memory_space<hbm>>) dst(%dma_wait3A_674 : memref<1x64xf32, #tpu.memory_space<vmem>>)
      %dma_wait3A_677 = arith.constant 0 : i32
      %dma_wait3A_678 = tpu.memref_slice %arg6[%add3A_200, %dma_wait3A_677] : memref<512x64xf32, #tpu.memory_space<vmem>> -> memref<1x64xf32, #tpu.memory_space<vmem>>
      %dma_wait3A_679 = arith.constant 0 : i32
      %dma_wait3A_680 = tpu.memref_slice %arg3[%squeeze3A_202, %dma_wait3A_679] : memref<1000000x64xf32, #tpu.memory_space<hbm>> -> memref<1x64xf32, #tpu.memory_space<hbm>>
      %dma_wait3A_681 = arith.constant 0 : i32
      %dma_wait3A_682 = tpu.memref_slice %arg6[%add3A_200, %dma_wait3A_681] : memref<512x64xf32, #tpu.memory_space<vmem>> -> memref<1x64xf32, #tpu.memory_space<vmem>>
      %dma_wait3A_683 = arith.constant 0 : i32
      %dma_wait3A_684 = tpu.memref_slice %arg3[%squeeze3A_202, %dma_wait3A_683] : memref<1000000x64xf32, #tpu.memory_space<hbm>> -> memref<1x64xf32, #tpu.memory_space<hbm>>
      tpu.wait_dma2 semaphore(%arg7 : memref<!tpu.dma_semaphore, #tpu.memory_space<semaphore_mem>>) src(%dma_wait3A_684 : memref<1x64xf32, #tpu.memory_space<hbm>>) dst(%dma_wait3A_682 : memref<1x64xf32, #tpu.memory_space<vmem>>)
      %dma_wait3A_685 = arith.constant 0 : i32
      %dma_wait3A_686 = tpu.memref_slice %arg6[%add3A_218, %dma_wait3A_685] : memref<512x64xf32, #tpu.memory_space<vmem>> -> memref<1x64xf32, #tpu.memory_space<vmem>>
      %dma_wait3A_687 = arith.constant 0 : i32
      %dma_wait3A_688 = tpu.memref_slice %arg3[%squeeze3A_220, %dma_wait3A_687] : memref<1000000x64xf32, #tpu.memory_space<hbm>> -> memref<1x64xf32, #tpu.memory_space<hbm>>
      %dma_wait3A_689 = arith.constant 0 : i32
      %dma_wait3A_690 = tpu.memref_slice %arg6[%add3A_218, %dma_wait3A_689] : memref<512x64xf32, #tpu.memory_space<vmem>> -> memref<1x64xf32, #tpu.memory_space<vmem>>
      %dma_wait3A_691 = arith.constant 0 : i32
      %dma_wait3A_692 = tpu.memref_slice %arg3[%squeeze3A_220, %dma_wait3A_691] : memref<1000000x64xf32, #tpu.memory_space<hbm>> -> memref<1x64xf32, #tpu.memory_space<hbm>>
      tpu.wait_dma2 semaphore(%arg7 : memref<!tpu.dma_semaphore, #tpu.memory_space<semaphore_mem>>) src(%dma_wait3A_692 : memref<1x64xf32, #tpu.memory_space<hbm>>) dst(%dma_wait3A_690 : memref<1x64xf32, #tpu.memory_space<vmem>>)
      %dma_wait3A_693 = arith.constant 0 : i32
      %dma_wait3A_694 = tpu.memref_slice %arg6[%add3A_236, %dma_wait3A_693] : memref<512x64xf32, #tpu.memory_space<vmem>> -> memref<1x64xf32, #tpu.memory_space<vmem>>
      %dma_wait3A_695 = arith.constant 0 : i32
      %dma_wait3A_696 = tpu.memref_slice %arg3[%squeeze3A_238, %dma_wait3A_695] : memref<1000000x64xf32, #tpu.memory_space<hbm>> -> memref<1x64xf32, #tpu.memory_space<hbm>>
      %dma_wait3A_697 = arith.constant 0 : i32
      %dma_wait3A_698 = tpu.memref_slice %arg6[%add3A_236, %dma_wait3A_697] : memref<512x64xf32, #tpu.memory_space<vmem>> -> memref<1x64xf32, #tpu.memory_space<vmem>>
      %dma_wait3A_699 = arith.constant 0 : i32
      %dma_wait3A_700 = tpu.memref_slice %arg3[%squeeze3A_238, %dma_wait3A_699] : memref<1000000x64xf32, #tpu.memory_space<hbm>> -> memref<1x64xf32, #tpu.memory_space<hbm>>
      tpu.wait_dma2 semaphore(%arg7 : memref<!tpu.dma_semaphore, #tpu.memory_space<semaphore_mem>>) src(%dma_wait3A_700 : memref<1x64xf32, #tpu.memory_space<hbm>>) dst(%dma_wait3A_698 : memref<1x64xf32, #tpu.memory_space<vmem>>)
      %dma_wait3A_701 = arith.constant 0 : i32
      %dma_wait3A_702 = tpu.memref_slice %arg6[%add3A_254, %dma_wait3A_701] : memref<512x64xf32, #tpu.memory_space<vmem>> -> memref<1x64xf32, #tpu.memory_space<vmem>>
      %dma_wait3A_703 = arith.constant 0 : i32
      %dma_wait3A_704 = tpu.memref_slice %arg3[%squeeze3A_256, %dma_wait3A_703] : memref<1000000x64xf32, #tpu.memory_space<hbm>> -> memref<1x64xf32, #tpu.memory_space<hbm>>
      %dma_wait3A_705 = arith.constant 0 : i32
      %dma_wait3A_706 = tpu.memref_slice %arg6[%add3A_254, %dma_wait3A_705] : memref<512x64xf32, #tpu.memory_space<vmem>> -> memref<1x64xf32, #tpu.memory_space<vmem>>
      %dma_wait3A_707 = arith.constant 0 : i32
      %dma_wait3A_708 = tpu.memref_slice %arg3[%squeeze3A_256, %dma_wait3A_707] : memref<1000000x64xf32, #tpu.memory_space<hbm>> -> memref<1x64xf32, #tpu.memory_space<hbm>>
      tpu.wait_dma2 semaphore(%arg7 : memref<!tpu.dma_semaphore, #tpu.memory_space<semaphore_mem>>) src(%dma_wait3A_708 : memref<1x64xf32, #tpu.memory_space<hbm>>) dst(%dma_wait3A_706 : memref<1x64xf32, #tpu.memory_space<vmem>>)
      %dma_wait3A_709 = arith.constant 0 : i32
      %dma_wait3A_710 = tpu.memref_slice %arg6[%add3A_272, %dma_wait3A_709] : memref<512x64xf32, #tpu.memory_space<vmem>> -> memref<1x64xf32, #tpu.memory_space<vmem>>
      %dma_wait3A_711 = arith.constant 0 : i32
      %dma_wait3A_712 = tpu.memref_slice %arg3[%squeeze3A_274, %dma_wait3A_711] : memref<1000000x64xf32, #tpu.memory_space<hbm>> -> memref<1x64xf32, #tpu.memory_space<hbm>>
      %dma_wait3A_713 = arith.constant 0 : i32
      %dma_wait3A_714 = tpu.memref_slice %arg6[%add3A_272, %dma_wait3A_713] : memref<512x64xf32, #tpu.memory_space<vmem>> -> memref<1x64xf32, #tpu.memory_space<vmem>>
      %dma_wait3A_715 = arith.constant 0 : i32
      %dma_wait3A_716 = tpu.memref_slice %arg3[%squeeze3A_274, %dma_wait3A_715] : memref<1000000x64xf32, #tpu.memory_space<hbm>> -> memref<1x64xf32, #tpu.memory_space<hbm>>
      tpu.wait_dma2 semaphore(%arg7 : memref<!tpu.dma_semaphore, #tpu.memory_space<semaphore_mem>>) src(%dma_wait3A_716 : memref<1x64xf32, #tpu.memory_space<hbm>>) dst(%dma_wait3A_714 : memref<1x64xf32, #tpu.memory_space<vmem>>)
      %dma_wait3A_717 = arith.constant 0 : i32
      %dma_wait3A_718 = tpu.memref_slice %arg6[%add3A_290, %dma_wait3A_717] : memref<512x64xf32, #tpu.memory_space<vmem>> -> memref<1x64xf32, #tpu.memory_space<vmem>>
      %dma_wait3A_719 = arith.constant 0 : i32
      %dma_wait3A_720 = tpu.memref_slice %arg3[%squeeze3A_292, %dma_wait3A_719] : memref<1000000x64xf32, #tpu.memory_space<hbm>> -> memref<1x64xf32, #tpu.memory_space<hbm>>
      %dma_wait3A_721 = arith.constant 0 : i32
      %dma_wait3A_722 = tpu.memref_slice %arg6[%add3A_290, %dma_wait3A_721] : memref<512x64xf32, #tpu.memory_space<vmem>> -> memref<1x64xf32, #tpu.memory_space<vmem>>
      %dma_wait3A_723 = arith.constant 0 : i32
      %dma_wait3A_724 = tpu.memref_slice %arg3[%squeeze3A_292, %dma_wait3A_723] : memref<1000000x64xf32, #tpu.memory_space<hbm>> -> memref<1x64xf32, #tpu.memory_space<hbm>>
      tpu.wait_dma2 semaphore(%arg7 : memref<!tpu.dma_semaphore, #tpu.memory_space<semaphore_mem>>) src(%dma_wait3A_724 : memref<1x64xf32, #tpu.memory_space<hbm>>) dst(%dma_wait3A_722 : memref<1x64xf32, #tpu.memory_space<vmem>>)
      %dma_wait3A_725 = arith.constant 0 : i32
      %dma_wait3A_726 = tpu.memref_slice %arg6[%add3A_317, %dma_wait3A_725] : memref<512x64xf32, #tpu.memory_space<vmem>> -> memref<1x64xf32, #tpu.memory_space<vmem>>
      %dma_wait3A_727 = arith.constant 0 : i32
      %dma_wait3A_728 = tpu.memref_slice %arg3[%squeeze3A_319, %dma_wait3A_727] : memref<1000000x64xf32, #tpu.memory_space<hbm>> -> memref<1x64xf32, #tpu.memory_space<hbm>>
      %dma_wait3A_729 = arith.constant 0 : i32
      %dma_wait3A_730 = tpu.memref_slice %arg6[%add3A_317, %dma_wait3A_729] : memref<512x64xf32, #tpu.memory_space<vmem>> -> memref<1x64xf32, #tpu.memory_space<vmem>>
      %dma_wait3A_731 = arith.constant 0 : i32
      %dma_wait3A_732 = tpu.memref_slice %arg3[%squeeze3A_319, %dma_wait3A_731] : memref<1000000x64xf32, #tpu.memory_space<hbm>> -> memref<1x64xf32, #tpu.memory_space<hbm>>
      tpu.wait_dma2 semaphore(%arg7 : memref<!tpu.dma_semaphore, #tpu.memory_space<semaphore_mem>>) src(%dma_wait3A_732 : memref<1x64xf32, #tpu.memory_space<hbm>>) dst(%dma_wait3A_730 : memref<1x64xf32, #tpu.memory_space<vmem>>)
      %dma_wait3A_733 = arith.constant 0 : i32
      %dma_wait3A_734 = tpu.memref_slice %arg6[%add3A_335, %dma_wait3A_733] : memref<512x64xf32, #tpu.memory_space<vmem>> -> memref<1x64xf32, #tpu.memory_space<vmem>>
      %dma_wait3A_735 = arith.constant 0 : i32
      %dma_wait3A_736 = tpu.memref_slice %arg3[%squeeze3A_337, %dma_wait3A_735] : memref<1000000x64xf32, #tpu.memory_space<hbm>> -> memref<1x64xf32, #tpu.memory_space<hbm>>
      %dma_wait3A_737 = arith.constant 0 : i32
      %dma_wait3A_738 = tpu.memref_slice %arg6[%add3A_335, %dma_wait3A_737] : memref<512x64xf32, #tpu.memory_space<vmem>> -> memref<1x64xf32, #tpu.memory_space<vmem>>
      %dma_wait3A_739 = arith.constant 0 : i32
      %dma_wait3A_740 = tpu.memref_slice %arg3[%squeeze3A_337, %dma_wait3A_739] : memref<1000000x64xf32, #tpu.memory_space<hbm>> -> memref<1x64xf32, #tpu.memory_space<hbm>>
      tpu.wait_dma2 semaphore(%arg7 : memref<!tpu.dma_semaphore, #tpu.memory_space<semaphore_mem>>) src(%dma_wait3A_740 : memref<1x64xf32, #tpu.memory_space<hbm>>) dst(%dma_wait3A_738 : memref<1x64xf32, #tpu.memory_space<vmem>>)
      %dma_wait3A_741 = arith.constant 0 : i32
      %dma_wait3A_742 = tpu.memref_slice %arg6[%add3A_353, %dma_wait3A_741] : memref<512x64xf32, #tpu.memory_space<vmem>> -> memref<1x64xf32, #tpu.memory_space<vmem>>
      %dma_wait3A_743 = arith.constant 0 : i32
      %dma_wait3A_744 = tpu.memref_slice %arg3[%squeeze3A_355, %dma_wait3A_743] : memref<1000000x64xf32, #tpu.memory_space<hbm>> -> memref<1x64xf32, #tpu.memory_space<hbm>>
      %dma_wait3A_745 = arith.constant 0 : i32
      %dma_wait3A_746 = tpu.memref_slice %arg6[%add3A_353, %dma_wait3A_745] : memref<512x64xf32, #tpu.memory_space<vmem>> -> memref<1x64xf32, #tpu.memory_space<vmem>>
      %dma_wait3A_747 = arith.constant 0 : i32
      %dma_wait3A_748 = tpu.memref_slice %arg3[%squeeze3A_355, %dma_wait3A_747] : memref<1000000x64xf32, #tpu.memory_space<hbm>> -> memref<1x64xf32, #tpu.memory_space<hbm>>
      tpu.wait_dma2 semaphore(%arg7 : memref<!tpu.dma_semaphore, #tpu.memory_space<semaphore_mem>>) src(%dma_wait3A_748 : memref<1x64xf32, #tpu.memory_space<hbm>>) dst(%dma_wait3A_746 : memref<1x64xf32, #tpu.memory_space<vmem>>)
      %dma_wait3A_749 = arith.constant 0 : i32
      %dma_wait3A_750 = tpu.memref_slice %arg6[%add3A_371, %dma_wait3A_749] : memref<512x64xf32, #tpu.memory_space<vmem>> -> memref<1x64xf32, #tpu.memory_space<vmem>>
      %dma_wait3A_751 = arith.constant 0 : i32
      %dma_wait3A_752 = tpu.memref_slice %arg3[%squeeze3A_373, %dma_wait3A_751] : memref<1000000x64xf32, #tpu.memory_space<hbm>> -> memref<1x64xf32, #tpu.memory_space<hbm>>
      %dma_wait3A_753 = arith.constant 0 : i32
      %dma_wait3A_754 = tpu.memref_slice %arg6[%add3A_371, %dma_wait3A_753] : memref<512x64xf32, #tpu.memory_space<vmem>> -> memref<1x64xf32, #tpu.memory_space<vmem>>
      %dma_wait3A_755 = arith.constant 0 : i32
      %dma_wait3A_756 = tpu.memref_slice %arg3[%squeeze3A_373, %dma_wait3A_755] : memref<1000000x64xf32, #tpu.memory_space<hbm>> -> memref<1x64xf32, #tpu.memory_space<hbm>>
      tpu.wait_dma2 semaphore(%arg7 : memref<!tpu.dma_semaphore, #tpu.memory_space<semaphore_mem>>) src(%dma_wait3A_756 : memref<1x64xf32, #tpu.memory_space<hbm>>) dst(%dma_wait3A_754 : memref<1x64xf32, #tpu.memory_space<vmem>>)
      %dma_wait3A_757 = arith.constant 0 : i32
      %dma_wait3A_758 = tpu.memref_slice %arg6[%add3A_389, %dma_wait3A_757] : memref<512x64xf32, #tpu.memory_space<vmem>> -> memref<1x64xf32, #tpu.memory_space<vmem>>
      %dma_wait3A_759 = arith.constant 0 : i32
      %dma_wait3A_760 = tpu.memref_slice %arg3[%squeeze3A_391, %dma_wait3A_759] : memref<1000000x64xf32, #tpu.memory_space<hbm>> -> memref<1x64xf32, #tpu.memory_space<hbm>>
      %dma_wait3A_761 = arith.constant 0 : i32
      %dma_wait3A_762 = tpu.memref_slice %arg6[%add3A_389, %dma_wait3A_761] : memref<512x64xf32, #tpu.memory_space<vmem>> -> memref<1x64xf32, #tpu.memory_space<vmem>>
      %dma_wait3A_763 = arith.constant 0 : i32
      %dma_wait3A_764 = tpu.memref_slice %arg3[%squeeze3A_391, %dma_wait3A_763] : memref<1000000x64xf32, #tpu.memory_space<hbm>> -> memref<1x64xf32, #tpu.memory_space<hbm>>
      tpu.wait_dma2 semaphore(%arg7 : memref<!tpu.dma_semaphore, #tpu.memory_space<semaphore_mem>>) src(%dma_wait3A_764 : memref<1x64xf32, #tpu.memory_space<hbm>>) dst(%dma_wait3A_762 : memref<1x64xf32, #tpu.memory_space<vmem>>)
      %dma_wait3A_765 = arith.constant 0 : i32
      %dma_wait3A_766 = tpu.memref_slice %arg6[%add3A_407, %dma_wait3A_765] : memref<512x64xf32, #tpu.memory_space<vmem>> -> memref<1x64xf32, #tpu.memory_space<vmem>>
      %dma_wait3A_767 = arith.constant 0 : i32
      %dma_wait3A_768 = tpu.memref_slice %arg3[%squeeze3A_409, %dma_wait3A_767] : memref<1000000x64xf32, #tpu.memory_space<hbm>> -> memref<1x64xf32, #tpu.memory_space<hbm>>
      %dma_wait3A_769 = arith.constant 0 : i32
      %dma_wait3A_770 = tpu.memref_slice %arg6[%add3A_407, %dma_wait3A_769] : memref<512x64xf32, #tpu.memory_space<vmem>> -> memref<1x64xf32, #tpu.memory_space<vmem>>
      %dma_wait3A_771 = arith.constant 0 : i32
      %dma_wait3A_772 = tpu.memref_slice %arg3[%squeeze3A_409, %dma_wait3A_771] : memref<1000000x64xf32, #tpu.memory_space<hbm>> -> memref<1x64xf32, #tpu.memory_space<hbm>>
      tpu.wait_dma2 semaphore(%arg7 : memref<!tpu.dma_semaphore, #tpu.memory_space<semaphore_mem>>) src(%dma_wait3A_772 : memref<1x64xf32, #tpu.memory_space<hbm>>) dst(%dma_wait3A_770 : memref<1x64xf32, #tpu.memory_space<vmem>>)
      %dma_wait3A_773 = arith.constant 0 : i32
      %dma_wait3A_774 = tpu.memref_slice %arg6[%add3A_425, %dma_wait3A_773] : memref<512x64xf32, #tpu.memory_space<vmem>> -> memref<1x64xf32, #tpu.memory_space<vmem>>
      %dma_wait3A_775 = arith.constant 0 : i32
      %dma_wait3A_776 = tpu.memref_slice %arg3[%squeeze3A_427, %dma_wait3A_775] : memref<1000000x64xf32, #tpu.memory_space<hbm>> -> memref<1x64xf32, #tpu.memory_space<hbm>>
      %dma_wait3A_777 = arith.constant 0 : i32
      %dma_wait3A_778 = tpu.memref_slice %arg6[%add3A_425, %dma_wait3A_777] : memref<512x64xf32, #tpu.memory_space<vmem>> -> memref<1x64xf32, #tpu.memory_space<vmem>>
      %dma_wait3A_779 = arith.constant 0 : i32
      %dma_wait3A_780 = tpu.memref_slice %arg3[%squeeze3A_427, %dma_wait3A_779] : memref<1000000x64xf32, #tpu.memory_space<hbm>> -> memref<1x64xf32, #tpu.memory_space<hbm>>
      tpu.wait_dma2 semaphore(%arg7 : memref<!tpu.dma_semaphore, #tpu.memory_space<semaphore_mem>>) src(%dma_wait3A_780 : memref<1x64xf32, #tpu.memory_space<hbm>>) dst(%dma_wait3A_778 : memref<1x64xf32, #tpu.memory_space<vmem>>)
      %dma_wait3A_781 = arith.constant 0 : i32
      %dma_wait3A_782 = tpu.memref_slice %arg6[%add3A_443, %dma_wait3A_781] : memref<512x64xf32, #tpu.memory_space<vmem>> -> memref<1x64xf32, #tpu.memory_space<vmem>>
      %dma_wait3A_783 = arith.constant 0 : i32
      %dma_wait3A_784 = tpu.memref_slice %arg3[%squeeze3A_445, %dma_wait3A_783] : memref<1000000x64xf32, #tpu.memory_space<hbm>> -> memref<1x64xf32, #tpu.memory_space<hbm>>
      %dma_wait3A_785 = arith.constant 0 : i32
      %dma_wait3A_786 = tpu.memref_slice %arg6[%add3A_443, %dma_wait3A_785] : memref<512x64xf32, #tpu.memory_space<vmem>> -> memref<1x64xf32, #tpu.memory_space<vmem>>
      %dma_wait3A_787 = arith.constant 0 : i32
      %dma_wait3A_788 = tpu.memref_slice %arg3[%squeeze3A_445, %dma_wait3A_787] : memref<1000000x64xf32, #tpu.memory_space<hbm>> -> memref<1x64xf32, #tpu.memory_space<hbm>>
      tpu.wait_dma2 semaphore(%arg7 : memref<!tpu.dma_semaphore, #tpu.memory_space<semaphore_mem>>) src(%dma_wait3A_788 : memref<1x64xf32, #tpu.memory_space<hbm>>) dst(%dma_wait3A_786 : memref<1x64xf32, #tpu.memory_space<vmem>>)
      %dma_wait3A_789 = arith.constant 0 : i32
      %dma_wait3A_790 = tpu.memref_slice %arg6[%add3A_461, %dma_wait3A_789] : memref<512x64xf32, #tpu.memory_space<vmem>> -> memref<1x64xf32, #tpu.memory_space<vmem>>
      %dma_wait3A_791 = arith.constant 0 : i32
      %dma_wait3A_792 = tpu.memref_slice %arg3[%squeeze3A_463, %dma_wait3A_791] : memref<1000000x64xf32, #tpu.memory_space<hbm>> -> memref<1x64xf32, #tpu.memory_space<hbm>>
      %dma_wait3A_793 = arith.constant 0 : i32
      %dma_wait3A_794 = tpu.memref_slice %arg6[%add3A_461, %dma_wait3A_793] : memref<512x64xf32, #tpu.memory_space<vmem>> -> memref<1x64xf32, #tpu.memory_space<vmem>>
      %dma_wait3A_795 = arith.constant 0 : i32
      %dma_wait3A_796 = tpu.memref_slice %arg3[%squeeze3A_463, %dma_wait3A_795] : memref<1000000x64xf32, #tpu.memory_space<hbm>> -> memref<1x64xf32, #tpu.memory_space<hbm>>
      tpu.wait_dma2 semaphore(%arg7 : memref<!tpu.dma_semaphore, #tpu.memory_space<semaphore_mem>>) src(%dma_wait3A_796 : memref<1x64xf32, #tpu.memory_space<hbm>>) dst(%dma_wait3A_794 : memref<1x64xf32, #tpu.memory_space<vmem>>)
      %dma_wait3A_797 = arith.constant 0 : i32
      %dma_wait3A_798 = tpu.memref_slice %arg6[%add3A_479, %dma_wait3A_797] : memref<512x64xf32, #tpu.memory_space<vmem>> -> memref<1x64xf32, #tpu.memory_space<vmem>>
      %dma_wait3A_799 = arith.constant 0 : i32
      %dma_wait3A_800 = tpu.memref_slice %arg3[%squeeze3A_481, %dma_wait3A_799] : memref<1000000x64xf32, #tpu.memory_space<hbm>> -> memref<1x64xf32, #tpu.memory_space<hbm>>
      %dma_wait3A_801 = arith.constant 0 : i32
      %dma_wait3A_802 = tpu.memref_slice %arg6[%add3A_479, %dma_wait3A_801] : memref<512x64xf32, #tpu.memory_space<vmem>> -> memref<1x64xf32, #tpu.memory_space<vmem>>
      %dma_wait3A_803 = arith.constant 0 : i32
      %dma_wait3A_804 = tpu.memref_slice %arg3[%squeeze3A_481, %dma_wait3A_803] : memref<1000000x64xf32, #tpu.memory_space<hbm>> -> memref<1x64xf32, #tpu.memory_space<hbm>>
      tpu.wait_dma2 semaphore(%arg7 : memref<!tpu.dma_semaphore, #tpu.memory_space<semaphore_mem>>) src(%dma_wait3A_804 : memref<1x64xf32, #tpu.memory_space<hbm>>) dst(%dma_wait3A_802 : memref<1x64xf32, #tpu.memory_space<vmem>>)
      %dma_wait3A_805 = arith.constant 0 : i32
      %dma_wait3A_806 = tpu.memref_slice %arg6[%add3A_497, %dma_wait3A_805] : memref<512x64xf32, #tpu.memory_space<vmem>> -> memref<1x64xf32, #tpu.memory_space<vmem>>
      %dma_wait3A_807 = arith.constant 0 : i32
      %dma_wait3A_808 = tpu.memref_slice %arg3[%squeeze3A_499, %dma_wait3A_807] : memref<1000000x64xf32, #tpu.memory_space<hbm>> -> memref<1x64xf32, #tpu.memory_space<hbm>>
      %dma_wait3A_809 = arith.constant 0 : i32
      %dma_wait3A_810 = tpu.memref_slice %arg6[%add3A_497, %dma_wait3A_809] : memref<512x64xf32, #tpu.memory_space<vmem>> -> memref<1x64xf32, #tpu.memory_space<vmem>>
      %dma_wait3A_811 = arith.constant 0 : i32
      %dma_wait3A_812 = tpu.memref_slice %arg3[%squeeze3A_499, %dma_wait3A_811] : memref<1000000x64xf32, #tpu.memory_space<hbm>> -> memref<1x64xf32, #tpu.memory_space<hbm>>
      tpu.wait_dma2 semaphore(%arg7 : memref<!tpu.dma_semaphore, #tpu.memory_space<semaphore_mem>>) src(%dma_wait3A_812 : memref<1x64xf32, #tpu.memory_space<hbm>>) dst(%dma_wait3A_810 : memref<1x64xf32, #tpu.memory_space<vmem>>)
      %dma_wait3A_813 = arith.constant 0 : i32
      %dma_wait3A_814 = tpu.memref_slice %arg6[%add3A_515, %dma_wait3A_813] : memref<512x64xf32, #tpu.memory_space<vmem>> -> memref<1x64xf32, #tpu.memory_space<vmem>>
      %dma_wait3A_815 = arith.constant 0 : i32
      %dma_wait3A_816 = tpu.memref_slice %arg3[%squeeze3A_517, %dma_wait3A_815] : memref<1000000x64xf32, #tpu.memory_space<hbm>> -> memref<1x64xf32, #tpu.memory_space<hbm>>
      %dma_wait3A_817 = arith.constant 0 : i32
      %dma_wait3A_818 = tpu.memref_slice %arg6[%add3A_515, %dma_wait3A_817] : memref<512x64xf32, #tpu.memory_space<vmem>> -> memref<1x64xf32, #tpu.memory_space<vmem>>
      %dma_wait3A_819 = arith.constant 0 : i32
      %dma_wait3A_820 = tpu.memref_slice %arg3[%squeeze3A_517, %dma_wait3A_819] : memref<1000000x64xf32, #tpu.memory_space<hbm>> -> memref<1x64xf32, #tpu.memory_space<hbm>>
      tpu.wait_dma2 semaphore(%arg7 : memref<!tpu.dma_semaphore, #tpu.memory_space<semaphore_mem>>) src(%dma_wait3A_820 : memref<1x64xf32, #tpu.memory_space<hbm>>) dst(%dma_wait3A_818 : memref<1x64xf32, #tpu.memory_space<vmem>>)
      %dma_wait3A_821 = arith.constant 0 : i32
      %dma_wait3A_822 = tpu.memref_slice %arg6[%add3A_533, %dma_wait3A_821] : memref<512x64xf32, #tpu.memory_space<vmem>> -> memref<1x64xf32, #tpu.memory_space<vmem>>
      %dma_wait3A_823 = arith.constant 0 : i32
      %dma_wait3A_824 = tpu.memref_slice %arg3[%squeeze3A_535, %dma_wait3A_823] : memref<1000000x64xf32, #tpu.memory_space<hbm>> -> memref<1x64xf32, #tpu.memory_space<hbm>>
      %dma_wait3A_825 = arith.constant 0 : i32
      %dma_wait3A_826 = tpu.memref_slice %arg6[%add3A_533, %dma_wait3A_825] : memref<512x64xf32, #tpu.memory_space<vmem>> -> memref<1x64xf32, #tpu.memory_space<vmem>>
      %dma_wait3A_827 = arith.constant 0 : i32
      %dma_wait3A_828 = tpu.memref_slice %arg3[%squeeze3A_535, %dma_wait3A_827] : memref<1000000x64xf32, #tpu.memory_space<hbm>> -> memref<1x64xf32, #tpu.memory_space<hbm>>
      tpu.wait_dma2 semaphore(%arg7 : memref<!tpu.dma_semaphore, #tpu.memory_space<semaphore_mem>>) src(%dma_wait3A_828 : memref<1x64xf32, #tpu.memory_space<hbm>>) dst(%dma_wait3A_826 : memref<1x64xf32, #tpu.memory_space<vmem>>)
      %dma_wait3A_829 = arith.constant 0 : i32
      %dma_wait3A_830 = tpu.memref_slice %arg6[%add3A_551, %dma_wait3A_829] : memref<512x64xf32, #tpu.memory_space<vmem>> -> memref<1x64xf32, #tpu.memory_space<vmem>>
      %dma_wait3A_831 = arith.constant 0 : i32
      %dma_wait3A_832 = tpu.memref_slice %arg3[%squeeze3A_553, %dma_wait3A_831] : memref<1000000x64xf32, #tpu.memory_space<hbm>> -> memref<1x64xf32, #tpu.memory_space<hbm>>
      %dma_wait3A_833 = arith.constant 0 : i32
      %dma_wait3A_834 = tpu.memref_slice %arg6[%add3A_551, %dma_wait3A_833] : memref<512x64xf32, #tpu.memory_space<vmem>> -> memref<1x64xf32, #tpu.memory_space<vmem>>
      %dma_wait3A_835 = arith.constant 0 : i32
      %dma_wait3A_836 = tpu.memref_slice %arg3[%squeeze3A_553, %dma_wait3A_835] : memref<1000000x64xf32, #tpu.memory_space<hbm>> -> memref<1x64xf32, #tpu.memory_space<hbm>>
      tpu.wait_dma2 semaphore(%arg7 : memref<!tpu.dma_semaphore, #tpu.memory_space<semaphore_mem>>) src(%dma_wait3A_836 : memref<1x64xf32, #tpu.memory_space<hbm>>) dst(%dma_wait3A_834 : memref<1x64xf32, #tpu.memory_space<vmem>>)
      %dma_wait3A_837 = arith.constant 0 : i32
      %dma_wait3A_838 = tpu.memref_slice %arg6[%add3A_569, %dma_wait3A_837] : memref<512x64xf32, #tpu.memory_space<vmem>> -> memref<1x64xf32, #tpu.memory_space<vmem>>
      %dma_wait3A_839 = arith.constant 0 : i32
      %dma_wait3A_840 = tpu.memref_slice %arg3[%squeeze3A_571, %dma_wait3A_839] : memref<1000000x64xf32, #tpu.memory_space<hbm>> -> memref<1x64xf32, #tpu.memory_space<hbm>>
      %dma_wait3A_841 = arith.constant 0 : i32
      %dma_wait3A_842 = tpu.memref_slice %arg6[%add3A_569, %dma_wait3A_841] : memref<512x64xf32, #tpu.memory_space<vmem>> -> memref<1x64xf32, #tpu.memory_space<vmem>>
      %dma_wait3A_843 = arith.constant 0 : i32
      %dma_wait3A_844 = tpu.memref_slice %arg3[%squeeze3A_571, %dma_wait3A_843] : memref<1000000x64xf32, #tpu.memory_space<hbm>> -> memref<1x64xf32, #tpu.memory_space<hbm>>
      tpu.wait_dma2 semaphore(%arg7 : memref<!tpu.dma_semaphore, #tpu.memory_space<semaphore_mem>>) src(%dma_wait3A_844 : memref<1x64xf32, #tpu.memory_space<hbm>>) dst(%dma_wait3A_842 : memref<1x64xf32, #tpu.memory_space<vmem>>)
      %dma_wait3A_845 = arith.constant 0 : i32
      %dma_wait3A_846 = tpu.memref_slice %arg6[%add3A_587, %dma_wait3A_845] : memref<512x64xf32, #tpu.memory_space<vmem>> -> memref<1x64xf32, #tpu.memory_space<vmem>>
      %dma_wait3A_847 = arith.constant 0 : i32
      %dma_wait3A_848 = tpu.memref_slice %arg3[%squeeze3A_589, %dma_wait3A_847] : memref<1000000x64xf32, #tpu.memory_space<hbm>> -> memref<1x64xf32, #tpu.memory_space<hbm>>
      %dma_wait3A_849 = arith.constant 0 : i32
      %dma_wait3A_850 = tpu.memref_slice %arg6[%add3A_587, %dma_wait3A_849] : memref<512x64xf32, #tpu.memory_space<vmem>> -> memref<1x64xf32, #tpu.memory_space<vmem>>
      %dma_wait3A_851 = arith.constant 0 : i32
      %dma_wait3A_852 = tpu.memref_slice %arg3[%squeeze3A_589, %dma_wait3A_851] : memref<1000000x64xf32, #tpu.memory_space<hbm>> -> memref<1x64xf32, #tpu.memory_space<hbm>>
      tpu.wait_dma2 semaphore(%arg7 : memref<!tpu.dma_semaphore, #tpu.memory_space<semaphore_mem>>) src(%dma_wait3A_852 : memref<1x64xf32, #tpu.memory_space<hbm>>) dst(%dma_wait3A_850 : memref<1x64xf32, #tpu.memory_space<vmem>>)
    }
    %scan3A_6 = arith.constant 16 : i32
    "tpu.region"() ({
      %run_scoped3A = tpu.sem_alloc : memref<!tpu.dma_semaphore, #tpu.memory_space<semaphore_mem>>
      %dma_start3A = arith.constant 0 : i32
      %dma_start3A_7 = tpu.memref_slice %arg4[%mul3A_2, %dma_start3A] : memref<16384x64xf32, #tpu.memory_space<hbm>> -> memref<512x64xf32, #tpu.memory_space<hbm>>
      %dma_start3A_8 = arith.constant 0 : i32
      %dma_start3A_9 = tpu.memref_slice %arg4[%mul3A_2, %dma_start3A_8] : memref<16384x64xf32, #tpu.memory_space<hbm>> -> memref<512x64xf32, #tpu.memory_space<hbm>>
      tpu.enqueue_dma source(%arg6 : memref<512x64xf32, #tpu.memory_space<vmem>>) target(%dma_start3A_9 : memref<512x64xf32, #tpu.memory_space<hbm>>) target_semaphore(%run_scoped3A : memref<!tpu.dma_semaphore, #tpu.memory_space<semaphore_mem>>)
      %dma_wait3A = arith.constant 0 : i32
      %dma_wait3A_10 = tpu.memref_slice %arg4[%mul3A_2, %dma_wait3A] : memref<16384x64xf32, #tpu.memory_space<hbm>> -> memref<512x64xf32, #tpu.memory_space<hbm>>
      %dma_wait3A_11 = arith.constant 0 : i32
      %dma_wait3A_12 = tpu.memref_slice %arg4[%mul3A_2, %dma_wait3A_11] : memref<16384x64xf32, #tpu.memory_space<hbm>> -> memref<512x64xf32, #tpu.memory_space<hbm>>
      tpu.wait_dma2 semaphore(%run_scoped3A : memref<!tpu.dma_semaphore, #tpu.memory_space<semaphore_mem>>) src(%arg6 : memref<512x64xf32, #tpu.memory_space<vmem>>) dst(%dma_wait3A_12 : memref<512x64xf32, #tpu.memory_space<hbm>>)
      tpu.yield
    }) : () -> ()
    return
  }
}

module attributes {stable_mosaic.version = 14 : i64} {
  func.func @_tc_body(%arg0: i32, %arg1: memref<1024x64xf32, #tpu.memory_space<vmem>>, %arg2: memref<1024x8xi32, #tpu.memory_space<vmem>>, %arg3: memref<10x64xf32, #tpu.memory_space<vmem>>, %arg4: memref<5x64xf32, #tpu.memory_space<vmem>>, %arg5: memref<8x64xf32, #tpu.memory_space<vmem>>, %arg6: memref<61x64xf32, #tpu.memory_space<vmem>>, %arg7: memref<61x64xf32, #tpu.memory_space<vmem>>, %arg8: memref<61x64xf32, #tpu.memory_space<vmem>>, %arg9: memref<200x64xf32, #tpu.memory_space<vmem>>, %arg10: memref<50x64xf32, #tpu.memory_space<vmem>>, %arg11: memref<576x576xf32, #tpu.memory_space<vmem>>, %arg12: memref<576x1xf32, #tpu.memory_space<vmem>>, %arg13: memref<1x1xf32, #tpu.memory_space<vmem>>, %arg14: memref<576x256xf32, #tpu.memory_space<vmem>>, %arg15: memref<1x256xf32, #tpu.memory_space<vmem>>, %arg16: memref<256x256xf32, #tpu.memory_space<vmem>>, %arg17: memref<1x256xf32, #tpu.memory_space<vmem>>, %arg18: memref<256x128xf32, #tpu.memory_space<vmem>>, %arg19: memref<1x128xf32, #tpu.memory_space<vmem>>, %arg20: memref<128x64xf32, #tpu.memory_space<vmem>>, %arg21: memref<1x64xf32, #tpu.memory_space<vmem>>, %arg22: memref<64x1xf32, #tpu.memory_space<vmem>>, %arg23: memref<1x1xf32, #tpu.memory_space<vmem>>, %arg24: memref<1024x1xf32, #tpu.memory_space<vmem>>) attributes {dimension_semantics = [#tpu.dimension_semantics<arbitrary>], iteration_bounds = array<i64: 16>, scalar_prefetch = 0 : i64, scratch_operands = 0 : i64, tpu.core_type = #tpu.core_type<tc>, window_params = [{transform_indices = @transform_0, window_bounds = array<i64: 1024, 64>}, {transform_indices = @transform_1, window_bounds = array<i64: 1024, 8>}, {pipeline_mode = #tpu.pipeline_mode<synchronous>, transform_indices = @transform_2, window_bounds = array<i64: 10, 64>}, {pipeline_mode = #tpu.pipeline_mode<synchronous>, transform_indices = @transform_3, window_bounds = array<i64: 5, 64>}, {pipeline_mode = #tpu.pipeline_mode<synchronous>, transform_indices = @transform_4, window_bounds = array<i64: 8, 64>}, {pipeline_mode = #tpu.pipeline_mode<synchronous>, transform_indices = @transform_5, window_bounds = array<i64: 61, 64>}, {pipeline_mode = #tpu.pipeline_mode<synchronous>, transform_indices = @transform_6, window_bounds = array<i64: 61, 64>}, {pipeline_mode = #tpu.pipeline_mode<synchronous>, transform_indices = @transform_7, window_bounds = array<i64: 61, 64>}, {pipeline_mode = #tpu.pipeline_mode<synchronous>, transform_indices = @transform_8, window_bounds = array<i64: 200, 64>}, {pipeline_mode = #tpu.pipeline_mode<synchronous>, transform_indices = @transform_9, window_bounds = array<i64: 50, 64>}, {pipeline_mode = #tpu.pipeline_mode<synchronous>, transform_indices = @transform_10, window_bounds = array<i64: 576, 576>}, {pipeline_mode = #tpu.pipeline_mode<synchronous>, transform_indices = @transform_11, window_bounds = array<i64: 576, 1>}, {pipeline_mode = #tpu.pipeline_mode<synchronous>, transform_indices = @transform_12, window_bounds = array<i64: 1, 1>}, {pipeline_mode = #tpu.pipeline_mode<synchronous>, transform_indices = @transform_13, window_bounds = array<i64: 576, 256>}, {pipeline_mode = #tpu.pipeline_mode<synchronous>, transform_indices = @transform_14, window_bounds = array<i64: 1, 256>}, {pipeline_mode = #tpu.pipeline_mode<synchronous>, transform_indices = @transform_15, window_bounds = array<i64: 256, 256>}, {pipeline_mode = #tpu.pipeline_mode<synchronous>, transform_indices = @transform_16, window_bounds = array<i64: 1, 256>}, {pipeline_mode = #tpu.pipeline_mode<synchronous>, transform_indices = @transform_17, window_bounds = array<i64: 256, 128>}, {pipeline_mode = #tpu.pipeline_mode<synchronous>, transform_indices = @transform_18, window_bounds = array<i64: 1, 128>}, {pipeline_mode = #tpu.pipeline_mode<synchronous>, transform_indices = @transform_19, window_bounds = array<i64: 128, 64>}, {pipeline_mode = #tpu.pipeline_mode<synchronous>, transform_indices = @transform_20, window_bounds = array<i64: 1, 64>}, {pipeline_mode = #tpu.pipeline_mode<synchronous>, transform_indices = @transform_21, window_bounds = array<i64: 64, 1>}, {pipeline_mode = #tpu.pipeline_mode<synchronous>, transform_indices = @transform_22, window_bounds = array<i64: 1, 1>}, {transform_indices = @transform_23, window_bounds = array<i64: 1024, 1>}]} {
    %get3A = arith.constant 0 : index
    %get3A_0 = arith.constant 0 : index
    %get3A_1 = vector.load %arg1[%get3A, %get3A_0] : memref<1024x64xf32, #tpu.memory_space<vmem>>, vector<1024x64xf32>
    %get3A_2 = arith.constant 0 : index
    %get3A_3 = arith.constant 0 : index
    %get3A_4 = vector.load %arg2[%get3A_2, %get3A_3] : memref<1024x8xi32, #tpu.memory_space<vmem>>, vector<1024x1xi32>
    %iota3A = tpu.iota {dimensions = array<i32: 1>} : vector<1024x10xi32>
    %eq3A = vector.broadcast %get3A_4 : vector<1024x1xi32> to vector<1024x10xi32>
    %eq3A_5 = arith.cmpi eq, %eq3A, %iota3A : vector<1024x10xi32>
    %convert_element_type3A = arith.extui %eq3A_5 : vector<1024x10xi1> to vector<1024x10xi32>
    %convert_element_type3A_6 = arith.sitofp %convert_element_type3A : vector<1024x10xi32> to vector<1024x10xf32>
    %get3A_7 = arith.constant 0 : index
    %get3A_8 = arith.constant 0 : index
    %get3A_9 = vector.load %arg3[%get3A_7, %get3A_8] : memref<10x64xf32, #tpu.memory_space<vmem>>, vector<10x64xf32>
    %dot_general3A = arith.constant dense<0.000000e+00> : vector<1024x64xf32>
    %dot_general3A_10 = tpu.matmul %convert_element_type3A_6, %get3A_9, %dot_general3A {dimension_numbers = #tpu.dot_dimension_numbers<[1], [0], [0], [1], [0, 0, 1, 1], [], []>, transpose_lhs_hint = false} : vector<1024x10xf32>, vector<10x64xf32>, vector<1024x64xf32> -> vector<1024x64xf32>
    %get3A_11 = arith.constant 0 : index
    %get3A_12 = arith.constant 1 : index
    %get3A_13 = vector.load %arg2[%get3A_11, %get3A_12] : memref<1024x8xi32, #tpu.memory_space<vmem>>, vector<1024x1xi32>
    %rem3A = arith.constant 4 : i32
    %rem3A_14 = vector.broadcast %rem3A : i32 to vector<1024x1xi32>
    %rem3A_15 = arith.remsi %get3A_13, %rem3A_14 : vector<1024x1xi32>
    %iota3A_16 = tpu.iota {dimensions = array<i32: 1>} : vector<1024x5xi32>
    %eq3A_17 = vector.broadcast %rem3A_15 : vector<1024x1xi32> to vector<1024x5xi32>
    %eq3A_18 = arith.cmpi eq, %eq3A_17, %iota3A_16 : vector<1024x5xi32>
    %convert_element_type3A_19 = arith.extui %eq3A_18 : vector<1024x5xi1> to vector<1024x5xi32>
    %convert_element_type3A_20 = arith.sitofp %convert_element_type3A_19 : vector<1024x5xi32> to vector<1024x5xf32>
    %get3A_21 = arith.constant 0 : index
    %get3A_22 = arith.constant 0 : index
    %get3A_23 = vector.load %arg4[%get3A_21, %get3A_22] : memref<5x64xf32, #tpu.memory_space<vmem>>, vector<5x64xf32>
    %dot_general3A_24 = arith.constant dense<0.000000e+00> : vector<1024x64xf32>
    %dot_general3A_25 = tpu.matmul %convert_element_type3A_20, %get3A_23, %dot_general3A_24 {dimension_numbers = #tpu.dot_dimension_numbers<[1], [0], [0], [1], [0, 0, 1, 1], [], []>, transpose_lhs_hint = false} : vector<1024x5xf32>, vector<5x64xf32>, vector<1024x64xf32> -> vector<1024x64xf32>
    %get3A_26 = arith.constant 0 : index
    %get3A_27 = arith.constant 2 : index
    %get3A_28 = vector.load %arg2[%get3A_26, %get3A_27] : memref<1024x8xi32, #tpu.memory_space<vmem>>, vector<1024x1xi32>
    %iota3A_29 = tpu.iota {dimensions = array<i32: 1>} : vector<1024x8xi32>
    %eq3A_30 = vector.broadcast %get3A_28 : vector<1024x1xi32> to vector<1024x8xi32>
    %eq3A_31 = arith.cmpi eq, %eq3A_30, %iota3A_29 : vector<1024x8xi32>
    %convert_element_type3A_32 = arith.extui %eq3A_31 : vector<1024x8xi1> to vector<1024x8xi32>
    %convert_element_type3A_33 = arith.sitofp %convert_element_type3A_32 : vector<1024x8xi32> to vector<1024x8xf32>
    %get3A_34 = arith.constant 0 : index
    %get3A_35 = arith.constant 0 : index
    %get3A_36 = vector.load %arg5[%get3A_34, %get3A_35] : memref<8x64xf32, #tpu.memory_space<vmem>>, vector<8x64xf32>
    %dot_general3A_37 = arith.constant dense<0.000000e+00> : vector<1024x64xf32>
    %dot_general3A_38 = tpu.matmul %convert_element_type3A_33, %get3A_36, %dot_general3A_37 {dimension_numbers = #tpu.dot_dimension_numbers<[1], [0], [0], [1], [0, 0, 1, 1], [], []>, transpose_lhs_hint = false} : vector<1024x8xf32>, vector<8x64xf32>, vector<1024x64xf32> -> vector<1024x64xf32>
    %get3A_39 = arith.constant 0 : index
    %get3A_40 = arith.constant 3 : index
    %get3A_41 = vector.load %arg2[%get3A_39, %get3A_40] : memref<1024x8xi32, #tpu.memory_space<vmem>>, vector<1024x1xi32>
    %iota3A_42 = tpu.iota {dimensions = array<i32: 1>} : vector<1024x61xi32>
    %eq3A_43 = vector.broadcast %get3A_41 : vector<1024x1xi32> to vector<1024x61xi32>
    %eq3A_44 = arith.cmpi eq, %eq3A_43, %iota3A_42 : vector<1024x61xi32>
    %convert_element_type3A_45 = arith.extui %eq3A_44 : vector<1024x61xi1> to vector<1024x61xi32>
    %convert_element_type3A_46 = arith.sitofp %convert_element_type3A_45 : vector<1024x61xi32> to vector<1024x61xf32>
    %get3A_47 = arith.constant 0 : index
    %get3A_48 = arith.constant 0 : index
    %get3A_49 = vector.load %arg6[%get3A_47, %get3A_48] : memref<61x64xf32, #tpu.memory_space<vmem>>, vector<61x64xf32>
    %dot_general3A_50 = arith.constant dense<0.000000e+00> : vector<1024x64xf32>
    %dot_general3A_51 = tpu.matmul %convert_element_type3A_46, %get3A_49, %dot_general3A_50 {dimension_numbers = #tpu.dot_dimension_numbers<[1], [0], [0], [1], [0, 0, 1, 1], [], []>, transpose_lhs_hint = false} : vector<1024x61xf32>, vector<61x64xf32>, vector<1024x64xf32> -> vector<1024x64xf32>
    %get3A_52 = arith.constant 0 : index
    %get3A_53 = arith.constant 4 : index
    %get3A_54 = vector.load %arg2[%get3A_52, %get3A_53] : memref<1024x8xi32, #tpu.memory_space<vmem>>, vector<1024x1xi32>
    %iota3A_55 = tpu.iota {dimensions = array<i32: 1>} : vector<1024x61xi32>
    %eq3A_56 = vector.broadcast %get3A_54 : vector<1024x1xi32> to vector<1024x61xi32>
    %eq3A_57 = arith.cmpi eq, %eq3A_56, %iota3A_55 : vector<1024x61xi32>
    %convert_element_type3A_58 = arith.extui %eq3A_57 : vector<1024x61xi1> to vector<1024x61xi32>
    %convert_element_type3A_59 = arith.sitofp %convert_element_type3A_58 : vector<1024x61xi32> to vector<1024x61xf32>
    %get3A_60 = arith.constant 0 : index
    %get3A_61 = arith.constant 0 : index
    %get3A_62 = vector.load %arg7[%get3A_60, %get3A_61] : memref<61x64xf32, #tpu.memory_space<vmem>>, vector<61x64xf32>
    %dot_general3A_63 = arith.constant dense<0.000000e+00> : vector<1024x64xf32>
    %dot_general3A_64 = tpu.matmul %convert_element_type3A_59, %get3A_62, %dot_general3A_63 {dimension_numbers = #tpu.dot_dimension_numbers<[1], [0], [0], [1], [0, 0, 1, 1], [], []>, transpose_lhs_hint = false} : vector<1024x61xf32>, vector<61x64xf32>, vector<1024x64xf32> -> vector<1024x64xf32>
    %get3A_65 = arith.constant 0 : index
    %get3A_66 = arith.constant 5 : index
    %get3A_67 = vector.load %arg2[%get3A_65, %get3A_66] : memref<1024x8xi32, #tpu.memory_space<vmem>>, vector<1024x1xi32>
    %iota3A_68 = tpu.iota {dimensions = array<i32: 1>} : vector<1024x61xi32>
    %eq3A_69 = vector.broadcast %get3A_67 : vector<1024x1xi32> to vector<1024x61xi32>
    %eq3A_70 = arith.cmpi eq, %eq3A_69, %iota3A_68 : vector<1024x61xi32>
    %convert_element_type3A_71 = arith.extui %eq3A_70 : vector<1024x61xi1> to vector<1024x61xi32>
    %convert_element_type3A_72 = arith.sitofp %convert_element_type3A_71 : vector<1024x61xi32> to vector<1024x61xf32>
    %get3A_73 = arith.constant 0 : index
    %get3A_74 = arith.constant 0 : index
    %get3A_75 = vector.load %arg8[%get3A_73, %get3A_74] : memref<61x64xf32, #tpu.memory_space<vmem>>, vector<61x64xf32>
    %dot_general3A_76 = arith.constant dense<0.000000e+00> : vector<1024x64xf32>
    %dot_general3A_77 = tpu.matmul %convert_element_type3A_72, %get3A_75, %dot_general3A_76 {dimension_numbers = #tpu.dot_dimension_numbers<[1], [0], [0], [1], [0, 0, 1, 1], [], []>, transpose_lhs_hint = false} : vector<1024x61xf32>, vector<61x64xf32>, vector<1024x64xf32> -> vector<1024x64xf32>
    %get3A_78 = arith.constant 0 : index
    %get3A_79 = arith.constant 6 : index
    %get3A_80 = vector.load %arg2[%get3A_78, %get3A_79] : memref<1024x8xi32, #tpu.memory_space<vmem>>, vector<1024x1xi32>
    %rem3A_81 = arith.constant 200 : i32
    %rem3A_82 = vector.broadcast %rem3A_81 : i32 to vector<1024x1xi32>
    %rem3A_83 = arith.remsi %get3A_80, %rem3A_82 : vector<1024x1xi32>
    %iota3A_84 = tpu.iota {dimensions = array<i32: 1>} : vector<1024x200xi32>
    %eq3A_85 = vector.broadcast %rem3A_83 : vector<1024x1xi32> to vector<1024x200xi32>
    %eq3A_86 = arith.cmpi eq, %eq3A_85, %iota3A_84 : vector<1024x200xi32>
    %convert_element_type3A_87 = arith.extui %eq3A_86 : vector<1024x200xi1> to vector<1024x200xi32>
    %convert_element_type3A_88 = arith.sitofp %convert_element_type3A_87 : vector<1024x200xi32> to vector<1024x200xf32>
    %get3A_89 = arith.constant 0 : index
    %get3A_90 = arith.constant 0 : index
    %get3A_91 = vector.load %arg9[%get3A_89, %get3A_90] : memref<200x64xf32, #tpu.memory_space<vmem>>, vector<200x64xf32>
    %dot_general3A_92 = arith.constant dense<0.000000e+00> : vector<1024x64xf32>
    %dot_general3A_93 = tpu.matmul %convert_element_type3A_88, %get3A_91, %dot_general3A_92 {dimension_numbers = #tpu.dot_dimension_numbers<[1], [0], [0], [1], [0, 0, 1, 1], [], []>, transpose_lhs_hint = false} : vector<1024x200xf32>, vector<200x64xf32>, vector<1024x64xf32> -> vector<1024x64xf32>
    %get3A_94 = arith.constant 0 : index
    %get3A_95 = arith.constant 7 : index
    %get3A_96 = vector.load %arg2[%get3A_94, %get3A_95] : memref<1024x8xi32, #tpu.memory_space<vmem>>, vector<1024x1xi32>
    %iota3A_97 = tpu.iota {dimensions = array<i32: 1>} : vector<1024x50xi32>
    %eq3A_98 = vector.broadcast %get3A_96 : vector<1024x1xi32> to vector<1024x50xi32>
    %eq3A_99 = arith.cmpi eq, %eq3A_98, %iota3A_97 : vector<1024x50xi32>
    %convert_element_type3A_100 = arith.extui %eq3A_99 : vector<1024x50xi1> to vector<1024x50xi32>
    %convert_element_type3A_101 = arith.sitofp %convert_element_type3A_100 : vector<1024x50xi32> to vector<1024x50xf32>
    %get3A_102 = arith.constant 0 : index
    %get3A_103 = arith.constant 0 : index
    %get3A_104 = vector.load %arg10[%get3A_102, %get3A_103] : memref<50x64xf32, #tpu.memory_space<vmem>>, vector<50x64xf32>
    %dot_general3A_105 = arith.constant dense<0.000000e+00> : vector<1024x64xf32>
    %dot_general3A_106 = tpu.matmul %convert_element_type3A_101, %get3A_104, %dot_general3A_105 {dimension_numbers = #tpu.dot_dimension_numbers<[1], [0], [0], [1], [0, 0, 1, 1], [], []>, transpose_lhs_hint = false} : vector<1024x50xf32>, vector<50x64xf32>, vector<1024x64xf32> -> vector<1024x64xf32>
    %concatenate3A = tpu.concatenate %get3A_1, %dot_general3A_10, %dot_general3A_25, %dot_general3A_38, %dot_general3A_51, %dot_general3A_64, %dot_general3A_77, %dot_general3A_93, %dot_general3A_106 in 1 : vector<1024x64xf32>, vector<1024x64xf32>, vector<1024x64xf32>, vector<1024x64xf32>, vector<1024x64xf32>, vector<1024x64xf32>, vector<1024x64xf32>, vector<1024x64xf32>, vector<1024x64xf32> -> vector<1024x576xf32>
    %get3A_107 = arith.constant 0 : index
    %get3A_108 = arith.constant 0 : index
    %get3A_109 = vector.load %arg11[%get3A_107, %get3A_108] : memref<576x576xf32, #tpu.memory_space<vmem>>, vector<576x576xf32>
    %convert_element_type3A_110 = arith.truncf %concatenate3A : vector<1024x576xf32> to vector<1024x576xbf16>
    %convert_element_type3A_111 = arith.truncf %get3A_109 : vector<576x576xf32> to vector<576x576xbf16>
    %dot_general3A_112 = arith.constant dense<0.000000e+00> : vector<1024x576xf32>
    %dot_general3A_113 = tpu.matmul %convert_element_type3A_110, %convert_element_type3A_111, %dot_general3A_112 {dimension_numbers = #tpu.dot_dimension_numbers<[1], [0], [0], [1], [0, 0, 1, 1], [], []>, transpose_lhs_hint = false} : vector<1024x576xbf16>, vector<576x576xbf16>, vector<1024x576xf32> -> vector<1024x576xf32>
    %mul3A = arith.mulf %dot_general3A_113, %dot_general3A_113 : vector<1024x576xf32>
    %reduce_sum3A = arith.constant dense<0.000000e+00> : vector<1024xf32>
    %reduce_sum3A_114 = vector.multi_reduction <add>, %mul3A, %reduce_sum3A [1] : vector<1024x576xf32> to vector<1024xf32>
    %broadcast_in_dim3A = vector.shape_cast %reduce_sum3A_114 : vector<1024xf32> to vector<1024x1xf32>
    %mul3A_115 = arith.mulf %get3A_109, %get3A_109 : vector<576x576xf32>
    %reduce_sum3A_116 = arith.constant dense<0.000000e+00> : vector<576xf32>
    %reduce_sum3A_117 = vector.multi_reduction <add>, %mul3A_115, %reduce_sum3A_116 [1] : vector<576x576xf32> to vector<576xf32>
    %broadcast_in_dim3A_118 = vector.shape_cast %reduce_sum3A_117 : vector<576xf32> to vector<576x1xf32>
    %mul3A_119 = arith.mulf %concatenate3A, %concatenate3A : vector<1024x576xf32>
    %dot_general3A_120 = arith.constant dense<0.000000e+00> : vector<1024x1xf32>
    %dot_general3A_121 = tpu.matmul %mul3A_119, %broadcast_in_dim3A_118, %dot_general3A_120 {dimension_numbers = #tpu.dot_dimension_numbers<[1], [0], [0], [1], [0, 0, 1, 1], [], []>, transpose_lhs_hint = false} : vector<1024x576xf32>, vector<576x1xf32>, vector<1024x1xf32> -> vector<1024x1xf32>
    %sub3A = arith.subf %broadcast_in_dim3A, %dot_general3A_121 : vector<1024x1xf32>
    %mul3A_122 = arith.constant 8.68055562E-4 : f32
    %mul3A_123 = vector.broadcast %mul3A_122 : f32 to vector<1024x1xf32>
    %mul3A_124 = arith.mulf %mul3A_123, %sub3A : vector<1024x1xf32>
    %get3A_125 = arith.constant 0 : index
    %get3A_126 = arith.constant 0 : index
    %get3A_127 = vector.load %arg12[%get3A_125, %get3A_126] : memref<576x1xf32, #tpu.memory_space<vmem>>, vector<576x1xf32>
    %dot_general3A_128 = arith.constant dense<0.000000e+00> : vector<1024x1xf32>
    %dot_general3A_129 = tpu.matmul %concatenate3A, %get3A_127, %dot_general3A_128 {dimension_numbers = #tpu.dot_dimension_numbers<[1], [0], [0], [1], [0, 0, 1, 1], [], []>, transpose_lhs_hint = false} : vector<1024x576xf32>, vector<576x1xf32>, vector<1024x1xf32> -> vector<1024x1xf32>
    %get3A_130 = arith.constant 0 : index
    %get3A_131 = arith.constant 0 : index
    %get3A_132 = vector.load %arg13[%get3A_130, %get3A_131] : memref<1x1xf32, #tpu.memory_space<vmem>>, vector<1x1xf32>
    %get3A_133 = vector.extract %get3A_132[0, 0] : f32 from vector<1x1xf32>
    %add3A = vector.broadcast %get3A_133 : f32 to vector<1024x1xf32>
    %add3A_134 = arith.addf %dot_general3A_129, %add3A : vector<1024x1xf32>
    %get3A_135 = arith.constant 0 : index
    %get3A_136 = arith.constant 0 : index
    %get3A_137 = vector.load %arg14[%get3A_135, %get3A_136] : memref<576x256xf32, #tpu.memory_space<vmem>>, vector<576x256xf32>
    %convert_element_type3A_138 = arith.truncf %concatenate3A : vector<1024x576xf32> to vector<1024x576xbf16>
    %convert_element_type3A_139 = arith.truncf %get3A_137 : vector<576x256xf32> to vector<576x256xbf16>
    %dot_general3A_140 = arith.constant dense<0.000000e+00> : vector<1024x256xf32>
    %dot_general3A_141 = tpu.matmul %convert_element_type3A_138, %convert_element_type3A_139, %dot_general3A_140 {dimension_numbers = #tpu.dot_dimension_numbers<[1], [0], [0], [1], [0, 0, 1, 1], [], []>, transpose_lhs_hint = false} : vector<1024x576xbf16>, vector<576x256xbf16>, vector<1024x256xf32> -> vector<1024x256xf32>
    %get3A_142 = arith.constant 0 : index
    %get3A_143 = arith.constant 0 : index
    %get3A_144 = vector.load %arg15[%get3A_142, %get3A_143] : memref<1x256xf32, #tpu.memory_space<vmem>>, vector<1x256xf32>
    %add3A_145 = vector.broadcast %get3A_144 : vector<1x256xf32> to vector<1024x256xf32>
    %add3A_146 = arith.addf %dot_general3A_141, %add3A_145 : vector<1024x256xf32>
    %max3A = arith.constant 0.000000e+00 : f32
    %max3A_147 = vector.broadcast %max3A : f32 to vector<1024x256xf32>
    %max3A_148 = arith.maximumf %add3A_146, %max3A_147 : vector<1024x256xf32>
    %get3A_149 = arith.constant 0 : index
    %get3A_150 = arith.constant 0 : index
    %get3A_151 = vector.load %arg16[%get3A_149, %get3A_150] : memref<256x256xf32, #tpu.memory_space<vmem>>, vector<256x256xf32>
    %convert_element_type3A_152 = arith.truncf %max3A_148 : vector<1024x256xf32> to vector<1024x256xbf16>
    %convert_element_type3A_153 = arith.truncf %get3A_151 : vector<256x256xf32> to vector<256x256xbf16>
    %dot_general3A_154 = arith.constant dense<0.000000e+00> : vector<1024x256xf32>
    %dot_general3A_155 = tpu.matmul %convert_element_type3A_152, %convert_element_type3A_153, %dot_general3A_154 {dimension_numbers = #tpu.dot_dimension_numbers<[1], [0], [0], [1], [0, 0, 1, 1], [], []>, transpose_lhs_hint = false} : vector<1024x256xbf16>, vector<256x256xbf16>, vector<1024x256xf32> -> vector<1024x256xf32>
    %get3A_156 = arith.constant 0 : index
    %get3A_157 = arith.constant 0 : index
    %get3A_158 = vector.load %arg17[%get3A_156, %get3A_157] : memref<1x256xf32, #tpu.memory_space<vmem>>, vector<1x256xf32>
    %add3A_159 = vector.broadcast %get3A_158 : vector<1x256xf32> to vector<1024x256xf32>
    %add3A_160 = arith.addf %dot_general3A_155, %add3A_159 : vector<1024x256xf32>
    %max3A_161 = arith.constant 0.000000e+00 : f32
    %max3A_162 = vector.broadcast %max3A_161 : f32 to vector<1024x256xf32>
    %max3A_163 = arith.maximumf %add3A_160, %max3A_162 : vector<1024x256xf32>
    %get3A_164 = arith.constant 0 : index
    %get3A_165 = arith.constant 0 : index
    %get3A_166 = vector.load %arg18[%get3A_164, %get3A_165] : memref<256x128xf32, #tpu.memory_space<vmem>>, vector<256x128xf32>
    %convert_element_type3A_167 = arith.truncf %max3A_163 : vector<1024x256xf32> to vector<1024x256xbf16>
    %convert_element_type3A_168 = arith.truncf %get3A_166 : vector<256x128xf32> to vector<256x128xbf16>
    %dot_general3A_169 = arith.constant dense<0.000000e+00> : vector<1024x128xf32>
    %dot_general3A_170 = tpu.matmul %convert_element_type3A_167, %convert_element_type3A_168, %dot_general3A_169 {dimension_numbers = #tpu.dot_dimension_numbers<[1], [0], [0], [1], [0, 0, 1, 1], [], []>, transpose_lhs_hint = false} : vector<1024x256xbf16>, vector<256x128xbf16>, vector<1024x128xf32> -> vector<1024x128xf32>
    %get3A_171 = arith.constant 0 : index
    %get3A_172 = arith.constant 0 : index
    %get3A_173 = vector.load %arg19[%get3A_171, %get3A_172] : memref<1x128xf32, #tpu.memory_space<vmem>>, vector<1x128xf32>
    %add3A_174 = vector.broadcast %get3A_173 : vector<1x128xf32> to vector<1024x128xf32>
    %add3A_175 = arith.addf %dot_general3A_170, %add3A_174 : vector<1024x128xf32>
    %max3A_176 = arith.constant 0.000000e+00 : f32
    %max3A_177 = vector.broadcast %max3A_176 : f32 to vector<1024x128xf32>
    %max3A_178 = arith.maximumf %add3A_175, %max3A_177 : vector<1024x128xf32>
    %get3A_179 = arith.constant 0 : index
    %get3A_180 = arith.constant 0 : index
    %get3A_181 = vector.load %arg20[%get3A_179, %get3A_180] : memref<128x64xf32, #tpu.memory_space<vmem>>, vector<128x64xf32>
    %convert_element_type3A_182 = arith.truncf %max3A_178 : vector<1024x128xf32> to vector<1024x128xbf16>
    %convert_element_type3A_183 = arith.truncf %get3A_181 : vector<128x64xf32> to vector<128x64xbf16>
    %dot_general3A_184 = arith.constant dense<0.000000e+00> : vector<1024x64xf32>
    %dot_general3A_185 = tpu.matmul %convert_element_type3A_182, %convert_element_type3A_183, %dot_general3A_184 {dimension_numbers = #tpu.dot_dimension_numbers<[1], [0], [0], [1], [0, 0, 1, 1], [], []>, transpose_lhs_hint = false} : vector<1024x128xbf16>, vector<128x64xbf16>, vector<1024x64xf32> -> vector<1024x64xf32>
    %get3A_186 = arith.constant 0 : index
    %get3A_187 = arith.constant 0 : index
    %get3A_188 = vector.load %arg21[%get3A_186, %get3A_187] : memref<1x64xf32, #tpu.memory_space<vmem>>, vector<1x64xf32>
    %add3A_189 = vector.broadcast %get3A_188 : vector<1x64xf32> to vector<1024x64xf32>
    %add3A_190 = arith.addf %dot_general3A_185, %add3A_189 : vector<1024x64xf32>
    %max3A_191 = arith.constant 0.000000e+00 : f32
    %max3A_192 = vector.broadcast %max3A_191 : f32 to vector<1024x64xf32>
    %max3A_193 = arith.maximumf %add3A_190, %max3A_192 : vector<1024x64xf32>
    %get3A_194 = arith.constant 0 : index
    %get3A_195 = arith.constant 0 : index
    %get3A_196 = vector.load %arg22[%get3A_194, %get3A_195] : memref<64x1xf32, #tpu.memory_space<vmem>>, vector<64x1xf32>
    %dot_general3A_197 = arith.constant dense<0.000000e+00> : vector<1024x1xf32>
    %dot_general3A_198 = tpu.matmul %max3A_193, %get3A_196, %dot_general3A_197 {dimension_numbers = #tpu.dot_dimension_numbers<[1], [0], [0], [1], [0, 0, 1, 1], [], []>, transpose_lhs_hint = false} : vector<1024x64xf32>, vector<64x1xf32>, vector<1024x1xf32> -> vector<1024x1xf32>
    %get3A_199 = arith.constant 0 : index
    %get3A_200 = arith.constant 0 : index
    %get3A_201 = vector.load %arg23[%get3A_199, %get3A_200] : memref<1x1xf32, #tpu.memory_space<vmem>>, vector<1x1xf32>
    %get3A_202 = vector.extract %get3A_201[0, 0] : f32 from vector<1x1xf32>
    %add3A_203 = vector.broadcast %get3A_202 : f32 to vector<1024x1xf32>
    %add3A_204 = arith.addf %dot_general3A_198, %add3A_203 : vector<1024x1xf32>
    %add3A_205 = arith.addf %add3A_134, %mul3A_124 : vector<1024x1xf32>
    %add3A_206 = arith.addf %add3A_205, %add3A_204 : vector<1024x1xf32>
    %logistic3A = arith.negf %add3A_206 : vector<1024x1xf32>
    %logistic3A_207 = math.exp %logistic3A : vector<1024x1xf32>
    %logistic3A_208 = arith.constant 1.000000e+00 : f32
    %logistic3A_209 = vector.broadcast %logistic3A_208 : f32 to vector<1024x1xf32>
    %logistic3A_210 = arith.addf %logistic3A_209, %logistic3A_207 : vector<1024x1xf32>
    %logistic3A_211 = arith.divf %logistic3A_209, %logistic3A_210 : vector<1024x1xf32>
    %swap3A = arith.constant 0 : index
    %swap3A_212 = arith.constant 0 : index
    %swap3A_213 = vector.load %arg24[%swap3A, %swap3A_212] : memref<1024x1xf32, #tpu.memory_space<vmem>>, vector<1024x1xf32>
    tpu.vector_store %arg24[%swap3A, %swap3A_212], %logistic3A_211 {strides = array<i32>} : memref<1024x1xf32, #tpu.memory_space<vmem>>, vector<1024x1xf32>,
    return
  }
  func.func @transform_0(%arg0: i32) -> (i32, i32) {
    %c0_i32 = arith.constant 0 : i32
    %c0_i32_0 = arith.constant 0 : i32
    return %arg0, %c0_i32 : i32, i32
  }
  func.func @transform_1(%arg0: i32) -> (i32, i32) {
    %c0_i32 = arith.constant 0 : i32
    %c0_i32_0 = arith.constant 0 : i32
    return %arg0, %c0_i32 : i32, i32
  }
  func.func @transform_2(%arg0: i32) -> (i32, i32) {
    %c0_i32 = arith.constant 0 : i32
    %c0_i32_0 = arith.constant 0 : i32
    %c0_i32_1 = arith.constant 0 : i32
    return %c0_i32, %c0_i32_0 : i32, i32
  }
  func.func @transform_3(%arg0: i32) -> (i32, i32) {
    %c0_i32 = arith.constant 0 : i32
    %c0_i32_0 = arith.constant 0 : i32
    %c0_i32_1 = arith.constant 0 : i32
    return %c0_i32, %c0_i32_0 : i32, i32
  }
  func.func @transform_4(%arg0: i32) -> (i32, i32) {
    %c0_i32 = arith.constant 0 : i32
    %c0_i32_0 = arith.constant 0 : i32
    %c0_i32_1 = arith.constant 0 : i32
    return %c0_i32, %c0_i32_0 : i32, i32
  }
  func.func @transform_5(%arg0: i32) -> (i32, i32) {
    %c0_i32 = arith.constant 0 : i32
    %c0_i32_0 = arith.constant 0 : i32
    %c0_i32_1 = arith.constant 0 : i32
    return %c0_i32, %c0_i32_0 : i32, i32
  }
  func.func @transform_6(%arg0: i32) -> (i32, i32) {
    %c0_i32 = arith.constant 0 : i32
    %c0_i32_0 = arith.constant 0 : i32
    %c0_i32_1 = arith.constant 0 : i32
    return %c0_i32, %c0_i32_0 : i32, i32
  }
  func.func @transform_7(%arg0: i32) -> (i32, i32) {
    %c0_i32 = arith.constant 0 : i32
    %c0_i32_0 = arith.constant 0 : i32
    %c0_i32_1 = arith.constant 0 : i32
    return %c0_i32, %c0_i32_0 : i32, i32
  }
  func.func @transform_8(%arg0: i32) -> (i32, i32) {
    %c0_i32 = arith.constant 0 : i32
    %c0_i32_0 = arith.constant 0 : i32
    %c0_i32_1 = arith.constant 0 : i32
    return %c0_i32, %c0_i32_0 : i32, i32
  }
  func.func @transform_9(%arg0: i32) -> (i32, i32) {
    %c0_i32 = arith.constant 0 : i32
    %c0_i32_0 = arith.constant 0 : i32
    %c0_i32_1 = arith.constant 0 : i32
    return %c0_i32, %c0_i32_0 : i32, i32
  }
  func.func @transform_10(%arg0: i32) -> (i32, i32) {
    %c0_i32 = arith.constant 0 : i32
    %c0_i32_0 = arith.constant 0 : i32
    %c0_i32_1 = arith.constant 0 : i32
    return %c0_i32, %c0_i32_0 : i32, i32
  }
  func.func @transform_11(%arg0: i32) -> (i32, i32) {
    %c0_i32 = arith.constant 0 : i32
    %c0_i32_0 = arith.constant 0 : i32
    %c0_i32_1 = arith.constant 0 : i32
    return %c0_i32, %c0_i32_0 : i32, i32
  }
  func.func @transform_12(%arg0: i32) -> (i32, i32) {
    %c0_i32 = arith.constant 0 : i32
    %c0_i32_0 = arith.constant 0 : i32
    %c0_i32_1 = arith.constant 0 : i32
    return %c0_i32, %c0_i32_0 : i32, i32
  }
  func.func @transform_13(%arg0: i32) -> (i32, i32) {
    %c0_i32 = arith.constant 0 : i32
    %c0_i32_0 = arith.constant 0 : i32
    %c0_i32_1 = arith.constant 0 : i32
    return %c0_i32, %c0_i32_0 : i32, i32
  }
  func.func @transform_14(%arg0: i32) -> (i32, i32) {
    %c0_i32 = arith.constant 0 : i32
    %c0_i32_0 = arith.constant 0 : i32
    %c0_i32_1 = arith.constant 0 : i32
    return %c0_i32, %c0_i32_0 : i32, i32
  }
  func.func @transform_15(%arg0: i32) -> (i32, i32) {
    %c0_i32 = arith.constant 0 : i32
    %c0_i32_0 = arith.constant 0 : i32
    %c0_i32_1 = arith.constant 0 : i32
    return %c0_i32, %c0_i32_0 : i32, i32
  }
  func.func @transform_16(%arg0: i32) -> (i32, i32) {
    %c0_i32 = arith.constant 0 : i32
    %c0_i32_0 = arith.constant 0 : i32
    %c0_i32_1 = arith.constant 0 : i32
    return %c0_i32, %c0_i32_0 : i32, i32
  }
  func.func @transform_17(%arg0: i32) -> (i32, i32) {
    %c0_i32 = arith.constant 0 : i32
    %c0_i32_0 = arith.constant 0 : i32
    %c0_i32_1 = arith.constant 0 : i32
    return %c0_i32, %c0_i32_0 : i32, i32
  }
  func.func @transform_18(%arg0: i32) -> (i32, i32) {
    %c0_i32 = arith.constant 0 : i32
    %c0_i32_0 = arith.constant 0 : i32
    %c0_i32_1 = arith.constant 0 : i32
    return %c0_i32, %c0_i32_0 : i32, i32
  }
  func.func @transform_19(%arg0: i32) -> (i32, i32) {
    %c0_i32 = arith.constant 0 : i32
    %c0_i32_0 = arith.constant 0 : i32
    %c0_i32_1 = arith.constant 0 : i32
    return %c0_i32, %c0_i32_0 : i32, i32
  }
  func.func @transform_20(%arg0: i32) -> (i32, i32) {
    %c0_i32 = arith.constant 0 : i32
    %c0_i32_0 = arith.constant 0 : i32
    %c0_i32_1 = arith.constant 0 : i32
    return %c0_i32, %c0_i32_0 : i32, i32
  }
  func.func @transform_21(%arg0: i32) -> (i32, i32) {
    %c0_i32 = arith.constant 0 : i32
    %c0_i32_0 = arith.constant 0 : i32
    %c0_i32_1 = arith.constant 0 : i32
    return %c0_i32, %c0_i32_0 : i32, i32
  }
  func.func @transform_22(%arg0: i32) -> (i32, i32) {
    %c0_i32 = arith.constant 0 : i32
    %c0_i32_0 = arith.constant 0 : i32
    %c0_i32_1 = arith.constant 0 : i32
    return %c0_i32, %c0_i32_0 : i32, i32
  }
  func.func @transform_23(%arg0: i32) -> (i32, i32) {
    %c0_i32 = arith.constant 0 : i32
    %c0_i32_0 = arith.constant 0 : i32
    return %arg0, %c0_i32 : i32, i32
  }
}

</mosaic_0001>

<sc_bundles>
// kernel: kernel.4.cloned.1.call-start
scs
__scs_entry_jumppad:
0x0: {  	(pc) =	sbr.rel $0x88, $3  }
0x1: {  	(tag) =	ssettag $0x0;
	lr =	simm.s32 $0x1  }
0x2: {  	[smem:$0x3F82] =	sst lr;
	_ =	strace $0xD0000000  }
0x3: {  	_ = 	snop  }
0x4: {  	_ = 	snop  }
0x5: {  	_ = 	snop  }
0x6: {  	_ = 	snop  }
0x7: {  	_ = 	snop  }
__scs_overlays_trampoline_lowered:
0x8: {  	[smem:$0x3F91] =	sst s0  }
0x9: {  	[smem:$0x3F92] =	sst s1  }
0xa: {  	[smem:$0x3F93] =	sst s2  }
0xb: {  	[smem:$0x3F94] =	sst s3  }
0xc: {  	[smem:$0x3F95] =	sst s4  }
0xd: {  	[smem:$0x3F96] =	sst s5  }
0xe: {  	[smem:$0x3F97] =	sst s6  }
0xf: {  	[smem:$0x3F98] =	sst s7  }
0x10: {  	[smem:$0x3F99] =	sst s8  }
0x11: {  	[smem:$0x3F9A] =	sst s9;
	s0 =	simm.s32 @!p0 $0x0  }
0x12: {  	s1 =	sld [smem:$0x3F80];
	s0 =	simm.s32 @p0 $0x1  }
0x13: {  	[smem:$0x3F9B] =	sst s0;
	s0 =	simm.s32 @!p1 $0x0  }
0x14: {  	s2 =	sld [smem:$0x3F7F];
	s0 =	simm.s32 @p1 $0x1  }
0x15: {  	[smem:$0x3F9C] =	sst s0;
	s0 =	simm.s32 @!p2 $0x0  }
0x16: {  	s3 =	sld [smem:$0x3FDB];
	s0 =	simm.s32 @p2 $0x1  }
0x17: {  	s4 =	simm.s32 $0x1BF5;
	[smem:$0x3F9E] =	sst s0  }
0x18: {  	s0 =	sld [smem:$0x3F81];
	_ =	swait.ge [sflag:s4], $0x0  }
0x19: {  	s7 =	sld [smem:$0x3F82]  }
0x1a: {  	s8 =	sadd.s32 $0xFFFFE003, lr  }
0x1b: {  	s9 =	sadd.s32 $0xFFFFFEF7, lr;
	s5 =	simm.s32 $0xFFFFFFFF;
	p2 =	slt.u32 s8, $0xFFFFF086  }
0x1c: {  	p1 =	slt.u32 s9, $0xF7A;
	s5 =	simm.s32 @!p2 $0x0  }
0x1d: {  	s5 =	simm.s32 @p1 $0x1;
	p0 =	seq.s32 s7, s2  }
0x1e: {  	s7 =	smul.u32 @!p0 $0xF7A, s2;
	p2 =	seq.s32 @!p0 s5, $0x0  }
0x1f: {  	s9 =	smul.u32 $0xF7A, s1;
	s8 =	simm.s32 @!p0 $0x1BF5;
	p2 =	por !p2, p0  }
0x20: {  	[sflag:s8] =	ssyncset.s32 @!p0 $0xFFFFF086;
	s6 =	sadd.s32 @!p0 s3, s7;
	s7 =	simm.s32 @!p0 $0x108  }
0x21: {  	s3 =	sadd.s32 s3, s9;
	s6 =	sadd.s32 @!p0 $0x88, s6;
	s7 =	simm.s32 @p2 $0x1082  }
0x22: {  	[simem:s7], [sflag:s8] =	dma.local @!p0 [hbm:s6], $0xF7A  }
0x23: {  	s9 =	sor.u32 $0xD0000000, s2;
	s6 =	simm.s32 $0x108;
	_ =	swait.ge @!p0 [sflag:s8], $0x0  }
0x24: {  	s3 =	sadd.s32 $0x88, s3;
	s6 =	simm.s32 @!p1 $0x1082;
	[sflag:s4] =	ssyncset.s32 $0xFFFFF086  }
0x25: {  	[simem:s6], [sflag:s4] =	dma.local [hbm:s3], $0xF7A  }
0x26: {  	[smem:$0x3F82] =	sst s1;
	(tag) =	ssettag s2;
	_ =	strace s9  }
0x27: {  	s1 =	sld [smem:$0x3F92]  }
0x28: {  	s2 =	sld [smem:$0x3F93]  }
0x29: {  	s4 =	sld [smem:$0x3F95]  }
0x2a: {  	p0 =	seq.s32 s5, $0x0;
	s5 =	sld [smem:$0x3F96]  }
0x2b: {  	s6 =	sld [smem:$0x3F97]  }
0x2c: {  	s7 =	sld [smem:$0x3F98]  }
0x2d: {  	s3 =	simm.s32 $0x108;
	s8 =	sld [smem:$0x3F99]  }
0x2e: {  	s3 =	simm.s32 @!p0 $0x1082;
	s9 =	sld [smem:$0x3F9A]  }
0x2f: {  	lr =	sadd.s32 s0, s3;
	s0 =	sld [smem:$0x3F91]  }
0x30: {  	s3 =	sld [smem:$0x3F94]  }
0x31: {  	[smem:$0x3F9D] =	sst s10  }
0x32: {  	s10 =	sld [smem:$0x3F9B];
	_ =	sdelay $0x3  }
0x33: {  	p0 =	seq.s32 s10, $0x1;
	s10 =	sld [smem:$0x3F9D];
	_ =	sdelay $0x3  }
0x34: {  	[smem:$0x3F9D] =	sst s10  }
0x35: {  	s10 =	sld [smem:$0x3F9C];
	_ =	sdelay $0x3  }
0x36: {  	p1 =	seq.s32 s10, $0x1;
	s10 =	sld [smem:$0x3F9D];
	_ =	sdelay $0x3  }
0x37: {  	[smem:$0x3F9D] =	sst s10  }
0x38: {  	s10 =	sld [smem:$0x3F9E]  }
0x39: {  	_ = 	snop;
	(pc) =	sbr.ind lr, $3  }
0x3a: {  	_ = 	snop  }
0x3b: {  	_ = 	snop  }
0x3c: {  	p2 =	seq.s32 s10, $0x1;
	s10 =	sld [smem:$0x3F9D]  }
0x3d: {  	_ =	shalt  }
0x3e: {  	_ =	shalt  }
0x3f: {  	_ =	shalt  }
0x40: {  	_ =	shalt  }
0x41: {  	_ =	shalt  }
0x42: {  	_ =	shalt  }
0x43: {  	_ =	shalt  }
0x44: {  	_ =	shalt  }
0x45: {  	_ =	shalt  }
0x46: {  	_ =	shalt  }
0x47: {  	_ =	shalt  }
0x48: {  	_ =	shalt  }
0x49: {  	_ =	shalt  }
0x4a: {  	_ =	shalt  }
0x4b: {  	_ =	shalt  }
0x4c: {  	_ =	shalt  }
0x4d: {  	_ =	shalt  }
0x4e: {  	_ =	shalt  }
0x4f: {  	_ =	shalt  }
0x50: {  	_ =	shalt  }
0x51: {  	_ =	shalt  }
0x52: {  	_ =	shalt  }
0x53: {  	_ =	shalt  }
0x54: {  	_ =	shalt  }
0x55: {  	_ =	shalt  }
0x56: {  	_ =	shalt  }
0x57: {  	_ =	shalt  }
0x58: {  	_ =	shalt  }
0x59: {  	_ =	shalt  }
0x5a: {  	_ =	shalt  }
0x5b: {  	_ =	shalt  }
0x5c: {  	_ =	shalt  }
0x5d: {  	_ =	shalt  }
0x5e: {  	_ =	shalt  }
0x5f: {  	_ =	shalt  }
0x60: {  	_ =	shalt  }
0x61: {  	_ =	shalt  }
0x62: {  	_ =	shalt  }
0x63: {  	_ =	shalt  }
0x64: {  	_ =	shalt  }
0x65: {  	_ =	shalt  }
0x66: {  	_ =	shalt  }
0x67: {  	_ =	shalt  }
0x68: {  	_ =	shalt  }
0x69: {  	_ =	shalt  }
0x6a: {  	_ =	shalt  }
0x6b: {  	_ =	shalt  }
0x6c: {  	_ =	shalt  }
0x6d: {  	_ =	shalt  }
0x6e: {  	_ =	shalt  }
0x6f: {  	_ =	shalt  }
0x70: {  	_ =	shalt  }
0x71: {  	_ =	shalt  }
0x72: {  	_ =	shalt  }
0x73: {  	_ =	shalt  }
0x74: {  	_ =	shalt  }
0x75: {  	_ =	shalt  }
0x76: {  	_ =	shalt  }
0x77: {  	_ =	shalt  }
0x78: {  	_ =	shalt  }
0x79: {  	_ =	shalt  }
0x7a: {  	_ =	shalt  }
0x7b: {  	_ =	shalt  }
0x7c: {  	_ =	shalt  }
0x7d: {  	_ =	shalt  }
0x7e: {  	_ =	shalt  }
0x7f: {  	_ =	shalt  }
0x80: {  	_ =	shalt  }
0x81: {  	_ =	shalt  }
0x82: {  	_ =	shalt  }
0x83: {  	_ =	shalt  }
0x84: {  	_ =	shalt  }
0x85: {  	_ =	shalt  }
0x86: {  	_ =	shalt  }
0x87: {  	_ =	shalt  }
.Lfunc_end0:
.L_simem_size_0:
called_computation_lowered:
.L_overlay_start_0:
0x88: {  	s2 =	sld [smem:$0x3FD9]  }
0x89: {  	s3 =	sld [smem:$0x3FFE];
	_ =	sdelay $0x1  }
0x8a: {  	s1 =	srdreg.scid  }
0x8b: {  	s0 =	sand.u32 $0x1, s1  }
0x8c: {  	s17 =	sshll.u32 s0, $0xA;
	s2 =	sadd.s32 s3, s2  }
0x8d: {  	s2 =	sadd.s32 s2, s17  }
0x8e: {  	[smem:$0x3FA9] =	sst s2  }
0x8f: {  	_ = 	snop  }
0x90: {  	s2 =	sld [smem:$0x3FD0];
	(tm) =	ssettm $0x1  }
0x91: {  	s18 =	sld [smem:$0x3FFB];
	_ =	sdelay $0x3  }
0x92: {  	_ =	strace s18  }
0x93: {  	s3 =	sld [smem:$0x3FFC];
	_ =	sdelay $0x3  }
0x94: {  	_ =	strace s3  }
0x95: {  	s3 =	sld [smem:$0x3FFD];
	_ =	sdelay $0x3  }
0x96: {  	_ =	strace s3  }
0x97: {  	_ =	strace $0x8FFFFFFF  }
0x98: {  	s19 =	sld [smem:$0x3FDB];
	_ =	sdelay $0x1  }
0x99: {  	s4 =	simm.s32 $_scs_section_size  }
0x9a: {  	s5 =	simm.s32 $_size__tile_overlayer_lowered;
	s6 =	simm.s32 $_tile_overlayer_lowered  }
0x9b: {  	s22 =	simm.s32 $0x1BFF;
	s21 =	sshll.u32 s6, $0x1;
	s3 =	sadd.s32 s4, s19  }
0x9c: {  	s7 =	simm.s32 $0x0;
	s20 =	sshll.u32 s5, $0x1;
	s5 =	sadd.s32 s21, s3  }
0x9d: {  	[timem:s7], [sflag:s22] =	dma.local [hbm:s5], s20  }
0x9e: {  	_ =	swait.ge [sflag:s22], s20  }
0x9f: {  	s4 =	ssub.s32 $0x0, s20;
	[sflag:s22] =	ssyncset.done $0x0  }
0xa0: {  	[sflag:s22] =	ssyncadd.s32 s4;
	_ =	sdelay $0x1  }
0xa1: {  	s23 =	simm.s32 $0x1B8B  }
0xa2: {  	_ =	swait.ge [sflag:s23], $0x1  }
0xa3: {  	[sflag:s23] =	ssyncset.done $0x0  }
0xa4: {  	s25 =	simm.s32 $0x1B8E;
	s24 =	sld [smem:$0x3FFE];
	[sflag:s23] =	ssyncadd.s32 $0xFFFFFFFF  }
0xa5: {  	s26 =	simm.s32 $execute0_lowered;
	[smem:$0x3FD2] =	sst s25  }
0xa6: {  	s5 =	sshll.u32 s26, $0x1;
	_ =	strace $0x80000046;
	[dreg:$0x1] =	wrdreg $0xFFFFFFFF  }
0xa7: {  	s28 =	simm.s32 $_size_execute0_lowered;
	s3 =	sadd.s32 s3, s5;
	[dreg:$0x0] =	wrdreg $0x0  }
0xa8: {  	s5 =	sshll.u32 s28, $0x1;
	[dreg:$0x2] =	wrdreg s3  }
0xa9: {  	[dreg:$0x3] =	wrdreg s5  }
0xaa: {  	[dreg:$0x4] =	wrdreg $0xC0  }
0xab: {  	_ =	task [dreg:s7], $0x5FFFF  }
0xac: {  	[dreg:$0x1] =	wrdreg $0xFFFFFFFF  }
0xad: {  	[dreg:$0x0] =	wrdreg $0x60  }
0xae: {  	[dreg:$0x2] =	wrdreg s2  }
0xaf: {  	[dreg:$0x3] =	wrdreg s24  }
0xb0: {  	[dreg:$0x4] =	wrdreg $0x9  }
0xb1: {  	_ =	task.clear_ibuf [dreg:s7], $0x5FFFF;
	_ =	strace $0x90000046  }
0xb2: {  	s29 =	simm.s32 $0x9;
	_ =	strace $0x80000048  }
0xb3: {  	_ =	swait.ge [sflag:s29], $0x1  }
0xb4: {  	[sflag:s29] =	ssyncadd.s32 $0xFFFFFFFF  }
0xb5: {  	_ =	strace $0x90000048  }
0xb6: {  	_ =	sfence  }
0xb7: {  	s30 =	sld [smem:$0x0];
	_ =	sdelay $0x2  }
0xb8: {  	s31 =	sshll.u32 s1, $0xD;
	s1 =	sshrl.u32 s1, $0x2  }
0xb9: {  	s3 =	sand.u32 $0x4000, s31;
	s1 =	sadd.s32 s1, s30  }
0xba: {  	s0 =	sor.u32 s3, s0;
	s1 =	sshll.u32 s1, $0x11  }
0xbb: {  	s0 =	sor.u32 s1, s0  }
0xbc: {  	s0 =	sadd.s32 $0x8F2B, s0  }
0xbd: {  	[sflag:s0] =	ssyncadd.remote.s32 $0x1  }
0xbe: {  	_ =	sfence.sel $0xFFFF  }
0xbf: {  	[dreg:$0x0] =	wrdreg $0xFFFFFFFF;
	(pc) =	sbr.abs _section_cstart, $3  }
0xc0: {  	[dreg:$0x1] =	wrdreg $0xFFFFFFFF  }
0xc1: {  	_ =	task.clear_ibuf [dreg:s7], $0x2FFFF;
	_ =	strace $0x9FFFFFFF  }
0xc2: {  	(tm) =	ssettm $0x7FFFFFFF  }
0xc3: {  	_ =	shalt  }
tec
execute0_lowered:
.L_overlay_start_1:
0x0: {  	(tag) =	ssettag $0x1  }
0x1: {  	s4 =	rddreg [dreg:$0x0]  }
0x2: {  	s5 =	rddreg [dreg:$0x1];
	s2 =	simm.s32 $0x0;
	s3 =	srdreg.scid  }
0x3: {  	s1 =	stileid.u32;
	s10 =	simm.s32 $0x0;
	s6 =	sand.u32 $0x1, s3  }
0x4: {  	[smem:$0x7FF] =	sst s2;
	s7 =	sshll.u32 s1, $0xA;
	s8 =	sshll.u32 s6, $0x9  }
0x5: {  	s3 =	sadd.s32 $0x3E00, s5;
	s6 =	ssub.s32 $0x2, s6;
	s7 =	sor.u32 s8, s7  }
0x6: {  	_ =	strace $0x80000047;
	s9 =	sshrl.u32 s6, $0x1;
	s8 =	sshll.u32 s7, $0x4  }
0x7: {  	s7 =	sshrl.u32 s7, $0x3;
	s6 =	ssub.s32 s6, s9;
	s9 =	simm.s32 $0x200  }
0x8: {  	s5 =	sadd.s32 s8, s5;
	s4 =	sadd.s32 s4, s7;
	s6 =	smax.u32 s6, $0x1  }
0x9: {  	s7 =	simm.s32 $0x2;
	s8 =	simm.s32 $0x1;
	s5 =	sadd.s32 $0xF46200, s5  }
.LBB2_1:
0xa: {  	[tilespmem:s2], [sflag:$0x2] =	stream.linear.gather [hbm4b:s4+s2], $0x200, $0x38;
	[tilespmem:$0x10200] =	vst v63  }
0xb: {  	_ =	swait.ge [sflag:s7], $0x200  }
0xc: {  	[sflag:s7] =	ssyncset.done $0x0  }
0xd: {  	s11 =	simm.s32 $0x10;
	[sflag:s7] =	ssyncadd.s32 $0xFFFFFE00  }
0xe: {  	v0 =	vld [tilespmem:s11+$0xFFFFFFF0];
	_ =	sdelay $0x4  }
0xf: {  	v0 =	vshll.u32 v0, $0x4  }
0x10: {  	(v2sf) =	vpush v0, $0x0  }
0x11: {  	(v2sf) =	vpush v0, $0x1  }
0x12: {  	(v2sf) =	vpush v0, $0x2;
	_ =	sdelay $0x1  }
0x13: {  	(v2sf) =	vpush v0, $0x3;
	_ =	sdelay $0x1  }
0x14: {  	(v2sf) =	vpush v0, $0x4;
	_ =	sdelay $0x1  }
0x15: {  	(v2sf) =	vpush v0, $0x5;
	_ =	sdelay $0x1  }
0x16: {  	(v2sf) =	vpush v0, $0x6  }
0x17: {  	s14 =	simm.s32 $0x280;
	s15 =	simm.s32 $0x380  }
0x18: {  	s16 =	simm.s32 $0x400;
	s17 =	simm.s32 $0x200;
	s18 =	simm.s32 $0x300;
	(v2sf) =	vpush v0, $0x7  }
0x19: {  	s19 =	simm.s32 $0x480;
	s13 =	simm.s32 $0x800;
	s12 =	simm.s32 $0x880  }
0x1a: {  	s20 =	simm.s32 $0x680;
	s21 =	simm.s32 $0x700;
	s22 =	simm.s32 $0x780;
	(v2sf) =	vpush v0, $0x8  }
0x1b: {  	s23 =	simm.s32 $0x500;
	s24 =	simm.s32 $0x600;
	s25 =	spop (v2sf)  }
0x1c: {  	s26 =	simm.s32 $0x580;
	s25 =	sand.u32 $0x1FFFFFF0, s25;
	s28 =	spop (v2sf);
	(v2sf) =	vpush v0, $0x9  }
0x1d: {  	s25 =	sadd.s32 s3, s25;
	s28 =	sand.u32 $0x1FFFFFF0, s28;
	s29 =	spop (v2sf)  }
0x1e: {  	(v2sf) =	vpush v0, $0xA;
	[tilespmem:s17], [sflag:$0x1] =	stream.linear.gather [hbm4b:s25+s2], $0x80, $0x38;
	[tilespmem:$0x10200] =	vst v63  }
0x1f: {  	s31 =	sadd.s32 s3, s28;
	s0 =	sand.u32 $0x1FFFFFF0, s29;
	s29 =	spop (v2sf)  }
0x20: {  	(v2sf) =	vpush v0, $0xB;
	[tilespmem:s14], [sflag:$0x1] =	stream.linear.gather [hbm4b:s31+s2], $0x80, $0x38;
	[tilespmem:$0x10200] =	vst v63  }
0x21: {  	s30 =	sadd.s32 s3, s0;
	s0 =	spop (v2sf);
	s31 =	sand.u32 $0x1FFFFFF0, s29  }
0x22: {  	(v2sf) =	vpush v0, $0xC;
	[tilespmem:s18], [sflag:$0x1] =	stream.linear.gather [hbm4b:s30+s2], $0x80, $0x38;
	[tilespmem:$0x10200] =	vst v63  }
0x23: {  	s28 =	sand.u32 $0x1FFFFFF0, s0;
	s29 =	spop (v2sf);
	s18 =	sadd.s32 s3, s31  }
0x24: {  	(v2sf) =	vpush v0, $0xD;
	[tilespmem:s15], [sflag:$0x1] =	stream.linear.gather [hbm4b:s18+s2], $0x80, $0x38;
	[tilespmem:$0x10200] =	vst v63  }
0x25: {  	s0 =	spop (v2sf);
	s30 =	sadd.s32 s3, s28;
	s31 =	sand.u32 $0x1FFFFFF0, s29  }
0x26: {  	(v2sf) =	vpush v0, $0xE;
	[tilespmem:s16], [sflag:$0x1] =	stream.linear.gather [hbm4b:s30+s2], $0x80, $0x38;
	[tilespmem:$0x10200] =	vst v63  }
0x27: {  	s17 =	sand.u32 $0x1FFFFFF0, s0;
	s18 =	spop (v2sf);
	s16 =	sadd.s32 s3, s31  }
0x28: {  	(v2sf) =	vpush v0, $0xF;
	[tilespmem:s19], [sflag:$0x1] =	stream.linear.gather [hbm4b:s16+s2], $0x80, $0x38;
	[tilespmem:$0x10200] =	vst v63  }
0x29: {  	s25 =	sadd.s32 s3, s17;
	s28 =	sand.u32 $0x1FFFFFF0, s18;
	s29 =	spop (v2sf)  }
0x2a: {  	[tilespmem:s23], [sflag:$0x1] =	stream.linear.gather [hbm4b:s25+s2], $0x80, $0x38;
	[tilespmem:$0x10200] =	vst v63  }
0x2b: {  	s30 =	sadd.s32 s3, s28;
	s31 =	sand.u32 $0x1FFFFFF0, s29;
	s0 =	spop (v2sf)  }
0x2c: {  	[tilespmem:s26], [sflag:$0x1] =	stream.linear.gather [hbm4b:s30+s2], $0x80, $0x38;
	[tilespmem:$0x10200] =	vst v63  }
0x2d: {  	s17 =	sadd.s32 s3, s31;
	s18 =	sand.u32 $0x1FFFFFF0, s0;
	s19 =	spop (v2sf)  }
0x2e: {  	[tilespmem:s24], [sflag:$0x1] =	stream.linear.gather [hbm4b:s17+s2], $0x80, $0x38;
	[tilespmem:$0x10200] =	vst v63  }
0x2f: {  	s23 =	sadd.s32 s3, s18;
	s25 =	spop (v2sf);
	s24 =	sand.u32 $0x1FFFFFF0, s19  }
0x30: {  	[tilespmem:s20], [sflag:$0x1] =	stream.linear.gather [hbm4b:s23+s2], $0x80, $0x38;
	[tilespmem:$0x10200] =	vst v63  }
0x31: {  	s28 =	sand.u32 $0x1FFFFFF0, s25;
	s29 =	spop (v2sf);
	s26 =	sadd.s32 s3, s24  }
0x32: {  	[tilespmem:s21], [sflag:$0x1] =	stream.linear.gather [hbm4b:s26+s2], $0x80, $0x38;
	[tilespmem:$0x10200] =	vst v63  }
0x33: {  	s30 =	sadd.s32 s3, s28;
	s31 =	sand.u32 $0x1FFFFFF0, s29;
	s0 =	spop (v2sf)  }
0x34: {  	[tilespmem:s22], [sflag:$0x1] =	stream.linear.gather [hbm4b:s30+s2], $0x80, $0x38;
	[tilespmem:$0x10200] =	vst v63  }
0x35: {  	s17 =	sadd.s32 s3, s31;
	s18 =	sand.u32 $0x1FFFFFF0, s0;
	s19 =	spop (v2sf)  }
0x36: {  	[tilespmem:s13], [sflag:$0x1] =	stream.linear.gather [hbm4b:s17+s2], $0x80, $0x38;
	[tilespmem:$0x10200] =	vst v63  }
0x37: {  	s20 =	sadd.s32 s3, s18;
	s21 =	sand.u32 $0x1FFFFFF0, s19;
	s22 =	spop (v2sf)  }
0x38: {  	[tilespmem:s12], [sflag:$0x1] =	stream.linear.gather [hbm4b:s20+s2], $0x80, $0x38;
	[tilespmem:$0x10200] =	vst v63  }
0x39: {  	s23 =	simm.s32 $0x900;
	s24 =	sadd.s32 s3, s21;
	s25 =	sand.u32 $0x1FFFFFF0, s22  }
0x3a: {  	[tilespmem:s23], [sflag:$0x1] =	stream.linear.gather [hbm4b:s24+s2], $0x80, $0x38;
	[tilespmem:$0x10200] =	vst v63  }
0x3b: {  	s26 =	simm.s32 $0x980;
	s28 =	sadd.s32 s3, s25  }
0x3c: {  	[tilespmem:s26], [sflag:$0x1] =	stream.linear.gather [hbm4b:s28+s2], $0x80, $0x38;
	[tilespmem:$0x10200] =	vst v63  }
0x3d: {  	v63 =	vld [tilespmem:s11+$0x0];
	_ =	sdelay $0x4  }
0x3e: {  	v0 =	vshll.u32 v63, $0x4  }
0x3f: {  	(v2sf) =	vpush v0, $0x0  }
0x40: {  	(v2sf) =	vpush v0, $0x1  }
0x41: {  	(v2sf) =	vpush v0, $0x2;
	_ =	sdelay $0x1  }
0x42: {  	(v2sf) =	vpush v0, $0x3;
	_ =	sdelay $0x1  }
0x43: {  	(v2sf) =	vpush v0, $0x4;
	_ =	sdelay $0x1  }
0x44: {  	(v2sf) =	vpush v0, $0x5;
	_ =	sdelay $0x1  }
0x45: {  	(v2sf) =	vpush v0, $0x6  }
0x46: {  	s14 =	simm.s32 $0xF80;
	s15 =	simm.s32 $0xF00  }
0x47: {  	s16 =	simm.s32 $0xE80;
	s18 =	simm.s32 $0xD80;
	s19 =	simm.s32 $0xE00;
	(v2sf) =	vpush v0, $0x7  }
0x48: {  	s21 =	simm.s32 $0xC00;
	s30 =	simm.s32 $0xA00;
	s22 =	simm.s32 $0xC80  }
0x49: {  	s13 =	simm.s32 $0x1000;
	s17 =	simm.s32 $0xD00;
	s12 =	simm.s32 $0x1080;
	(v2sf) =	vpush v0, $0x8  }
0x4a: {  	s20 =	simm.s32 $0xB80;
	s23 =	simm.s32 $0xA80;
	s29 =	spop (v2sf)  }
0x4b: {  	s24 =	simm.s32 $0xB00;
	(v2sf) =	vpush v0, $0x9;
	s25 =	sand.u32 $0x1FFFFFF0, s29;
	s31 =	spop (v2sf)  }
0x4c: {  	s25 =	sadd.s32 s3, s25;
	s28 =	sand.u32 $0x1FFFFFF0, s31;
	s0 =	spop (v2sf)  }
0x4d: {  	(v2sf) =	vpush v0, $0xA;
	[tilespmem:s30], [sflag:$0x1] =	stream.linear.gather [hbm4b:s25+s2], $0x80, $0x38;
	[tilespmem:$0x10200] =	vst v63  }
0x4e: {  	s30 =	sadd.s32 s3, s28;
	s31 =	sand.u32 $0x1FFFFFF0, s0;
	s0 =	spop (v2sf)  }
0x4f: {  	(v2sf) =	vpush v0, $0xB;
	[tilespmem:s23], [sflag:$0x1] =	stream.linear.gather [hbm4b:s30+s2], $0x80, $0x38;
	[tilespmem:$0x10200] =	vst v63  }
0x50: {  	s26 =	sadd.s32 s3, s31;
	s28 =	sand.u32 $0x1FFFFFF0, s0;
	s29 =	spop (v2sf)  }
0x51: {  	(v2sf) =	vpush v0, $0xC;
	[tilespmem:s24], [sflag:$0x1] =	stream.linear.gather [hbm4b:s26+s2], $0x80, $0x38;
	[tilespmem:$0x10200] =	vst v63  }
0x52: {  	s30 =	sadd.s32 s3, s28;
	s31 =	sand.u32 $0x1FFFFFF0, s29;
	s0 =	spop (v2sf)  }
0x53: {  	(v2sf) =	vpush v0, $0xD;
	[tilespmem:s20], [sflag:$0x1] =	stream.linear.gather [hbm4b:s30+s2], $0x80, $0x38;
	[tilespmem:$0x10200] =	vst v63  }
0x54: {  	s23 =	sadd.s32 s3, s31;
	s25 =	spop (v2sf);
	s24 =	sand.u32 $0x1FFFFFF0, s0  }
0x55: {  	(v2sf) =	vpush v0, $0xE;
	[tilespmem:s21], [sflag:$0x1] =	stream.linear.gather [hbm4b:s23+s2], $0x80, $0x38;
	[tilespmem:$0x10200] =	vst v63  }
0x56: {  	s28 =	sand.u32 $0x1FFFFFF0, s25;
	s29 =	spop (v2sf);
	s26 =	sadd.s32 s3, s24  }
0x57: {  	(v2sf) =	vpush v0, $0xF;
	[tilespmem:s22], [sflag:$0x1] =	stream.linear.gather [hbm4b:s26+s2], $0x80, $0x38;
	[tilespmem:$0x10200] =	vst v63  }
0x58: {  	s31 =	sand.u32 $0x1FFFFFF0, s29;
	s0 =	spop (v2sf);
	s30 =	sadd.s32 s3, s28  }
0x59: {  	[tilespmem:s17], [sflag:$0x1] =	stream.linear.gather [hbm4b:s30+s2], $0x80, $0x38;
	[tilespmem:$0x10200] =	vst v63  }
0x5a: {  	s20 =	sadd.s32 s3, s31;
	s21 =	sand.u32 $0x1FFFFFF0, s0;
	s22 =	spop (v2sf)  }
0x5b: {  	[tilespmem:s18], [sflag:$0x1] =	stream.linear.gather [hbm4b:s20+s2], $0x80, $0x38;
	[tilespmem:$0x10200] =	vst v63  }
0x5c: {  	s23 =	sadd.s32 s3, s21;
	s24 =	sand.u32 $0x1FFFFFF0, s22;
	s25 =	spop (v2sf)  }
0x5d: {  	[tilespmem:s19], [sflag:$0x1] =	stream.linear.gather [hbm4b:s23+s2], $0x80, $0x38;
	[tilespmem:$0x10200] =	vst v63  }
0x5e: {  	s26 =	sadd.s32 s3, s24;
	s28 =	sand.u32 $0x1FFFFFF0, s25;
	s29 =	spop (v2sf)  }
0x5f: {  	[tilespmem:s16], [sflag:$0x1] =	stream.linear.gather [hbm4b:s26+s2], $0x80, $0x38;
	[tilespmem:$0x10200] =	vst v63  }
0x60: {  	s30 =	sadd.s32 s3, s28;
	s31 =	sand.u32 $0x1FFFFFF0, s29;
	s0 =	spop (v2sf)  }
0x61: {  	[tilespmem:s15], [sflag:$0x1] =	stream.linear.gather [hbm4b:s30+s2], $0x80, $0x38;
	[tilespmem:$0x10200] =	vst v63  }
0x62: {  	s17 =	sadd.s32 s3, s31;
	s18 =	sand.u32 $0x1FFFFFF0, s0;
	s19 =	spop (v2sf)  }
0x63: {  	[tilespmem:s14], [sflag:$0x1] =	stream.linear.gather [hbm4b:s17+s2], $0x80, $0x38;
	[tilespmem:$0x10200] =	vst v63  }
0x64: {  	s20 =	sadd.s32 s3, s18;
	s21 =	sand.u32 $0x1FFFFFF0, s19;
	s22 =	spop (v2sf)  }
0x65: {  	[tilespmem:s13], [sflag:$0x1] =	stream.linear.gather [hbm4b:s20+s2], $0x80, $0x38;
	[tilespmem:$0x10200] =	vst v63  }
0x66: {  	s23 =	sadd.s32 s3, s21;
	s24 =	sand.u32 $0x1FFFFFF0, s22;
	s25 =	spop (v2sf)  }
0x67: {  	[tilespmem:s12], [sflag:$0x1] =	stream.linear.gather [hbm4b:s23+s2], $0x80, $0x38;
	[tilespmem:$0x10200] =	vst v63  }
0x68: {  	s26 =	simm.s32 $0x1100;
	s28 =	sadd.s32 s3, s24;
	s29 =	sand.u32 $0x1FFFFFF0, s25  }
0x69: {  	[tilespmem:s26], [sflag:$0x1] =	stream.linear.gather [hbm4b:s28+s2], $0x80, $0x38;
	[tilespmem:$0x10200] =	vst v63  }
0x6a: {  	s30 =	simm.s32 $0x1180;
	s31 =	sadd.s32 s3, s29  }
0x6b: {  	[tilespmem:s30], [sflag:$0x1] =	stream.linear.gather [hbm4b:s31+s2], $0x80, $0x38;
	[tilespmem:$0x10200] =	vst v63  }
0x6c: {  	_ =	swait.ge [sflag:s8], $0x80  }
0x6d: {  	[sflag:s8] =	ssyncset.done $0x0  }
0x6e: {  	[sflag:s8] =	ssyncadd.s32 $0xFFFFFF80  }
0x6f: {  	_ =	swait.ge [sflag:s8], $0x80  }
0x70: {  	[sflag:s8] =	ssyncset.done $0x0  }
0x71: {  	[sflag:s8] =	ssyncadd.s32 $0xFFFFFF80  }
0x72: {  	_ =	swait.ge [sflag:s8], $0x80  }
0x73: {  	[sflag:s8] =	ssyncset.done $0x0  }
0x74: {  	[sflag:s8] =	ssyncadd.s32 $0xFFFFFF80  }
0x75: {  	_ =	swait.ge [sflag:s8], $0x80  }
0x76: {  	[sflag:s8] =	ssyncset.done $0x0  }
0x77: {  	[sflag:s8] =	ssyncadd.s32 $0xFFFFFF80  }
0x78: {  	_ =	swait.ge [sflag:s8], $0x80  }
0x79: {  	[sflag:s8] =	ssyncset.done $0x0  }
0x7a: {  	[sflag:s8] =	ssyncadd.s32 $0xFFFFFF80  }
0x7b: {  	_ =	swait.ge [sflag:s8], $0x80  }
0x7c: {  	[sflag:s8] =	ssyncset.done $0x0  }
0x7d: {  	[sflag:s8] =	ssyncadd.s32 $0xFFFFFF80  }
0x7e: {  	_ =	swait.ge [sflag:s8], $0x80  }
0x7f: {  	[sflag:s8] =	ssyncset.done $0x0  }
0x80: {  	[sflag:s8] =	ssyncadd.s32 $0xFFFFFF80  }
0x81: {  	_ =	swait.ge [sflag:s8], $0x80  }
0x82: {  	[sflag:s8] =	ssyncset.done $0x0  }
0x83: {  	[sflag:s8] =	ssyncadd.s32 $0xFFFFFF80  }
0x84: {  	_ =	swait.ge [sflag:s8], $0x80  }
0x85: {  	[sflag:s8] =	ssyncset.done $0x0  }
0x86: {  	[sflag:s8] =	ssyncadd.s32 $0xFFFFFF80  }
0x87: {  	_ =	swait.ge [sflag:s8], $0x80  }
0x88: {  	[sflag:s8] =	ssyncset.done $0x0  }
0x89: {  	[sflag:s8] =	ssyncadd.s32 $0xFFFFFF80  }
0x8a: {  	_ =	swait.ge [sflag:s8], $0x80  }
0x8b: {  	[sflag:s8] =	ssyncset.done $0x0  }
0x8c: {  	[sflag:s8] =	ssyncadd.s32 $0xFFFFFF80  }
0x8d: {  	_ =	swait.ge [sflag:s8], $0x80  }
0x8e: {  	[sflag:s8] =	ssyncset.done $0x0  }
0x8f: {  	[sflag:s8] =	ssyncadd.s32 $0xFFFFFF80  }
0x90: {  	_ =	swait.ge [sflag:s8], $0x80  }
0x91: {  	[sflag:s8] =	ssyncset.done $0x0  }
0x92: {  	[sflag:s8] =	ssyncadd.s32 $0xFFFFFF80  }
0x93: {  	_ =	swait.ge [sflag:s8], $0x80  }
0x94: {  	[sflag:s8] =	ssyncset.done $0x0  }
0x95: {  	[sflag:s8] =	ssyncadd.s32 $0xFFFFFF80  }
0x96: {  	_ =	swait.ge [sflag:s8], $0x80  }
0x97: {  	[sflag:s8] =	ssyncset.done $0x0  }
0x98: {  	[sflag:s8] =	ssyncadd.s32 $0xFFFFFF80  }
0x99: {  	_ =	swait.ge [sflag:s8], $0x80  }
0x9a: {  	[sflag:s8] =	ssyncset.done $0x0  }
0x9b: {  	[sflag:s8] =	ssyncadd.s32 $0xFFFFFF80  }
0x9c: {  	_ =	swait.ge [sflag:s8], $0x80  }
0x9d: {  	[sflag:s8] =	ssyncset.done $0x0  }
0x9e: {  	[sflag:s8] =	ssyncadd.s32 $0xFFFFFF80  }
0x9f: {  	_ =	swait.ge [sflag:s8], $0x80  }
0xa0: {  	[sflag:s8] =	ssyncset.done $0x0  }
0xa1: {  	[sflag:s8] =	ssyncadd.s32 $0xFFFFFF80  }
0xa2: {  	_ =	swait.ge [sflag:s8], $0x80  }
0xa3: {  	[sflag:s8] =	ssyncset.done $0x0  }
0xa4: {  	[sflag:s8] =	ssyncadd.s32 $0xFFFFFF80  }
0xa5: {  	_ =	swait.ge [sflag:s8], $0x80  }
0xa6: {  	[sflag:s8] =	ssyncset.done $0x0  }
0xa7: {  	[sflag:s8] =	ssyncadd.s32 $0xFFFFFF80  }
0xa8: {  	_ =	swait.ge [sflag:s8], $0x80  }
0xa9: {  	[sflag:s8] =	ssyncset.done $0x0  }
0xaa: {  	[sflag:s8] =	ssyncadd.s32 $0xFFFFFF80  }
0xab: {  	_ =	swait.ge [sflag:s8], $0x80  }
0xac: {  	[sflag:s8] =	ssyncset.done $0x0  }
0xad: {  	[sflag:s8] =	ssyncadd.s32 $0xFFFFFF80  }
0xae: {  	_ =	swait.ge [sflag:s8], $0x80  }
0xaf: {  	[sflag:s8] =	ssyncset.done $0x0  }
0xb0: {  	[sflag:s8] =	ssyncadd.s32 $0xFFFFFF80  }
0xb1: {  	_ =	swait.ge [sflag:s8], $0x80  }
0xb2: {  	[sflag:s8] =	ssyncset.done $0x0  }
0xb3: {  	[sflag:s8] =	ssyncadd.s32 $0xFFFFFF80  }
0xb4: {  	_ =	swait.ge [sflag:s8], $0x80  }
0xb5: {  	[sflag:s8] =	ssyncset.done $0x0  }
0xb6: {  	[sflag:s8] =	ssyncadd.s32 $0xFFFFFF80  }
0xb7: {  	_ =	swait.ge [sflag:s8], $0x80  }
0xb8: {  	[sflag:s8] =	ssyncset.done $0x0  }
0xb9: {  	[sflag:s8] =	ssyncadd.s32 $0xFFFFFF80  }
0xba: {  	_ =	swait.ge [sflag:s8], $0x80  }
0xbb: {  	[sflag:s8] =	ssyncset.done $0x0  }
0xbc: {  	[sflag:s8] =	ssyncadd.s32 $0xFFFFFF80  }
0xbd: {  	_ =	swait.ge [sflag:s8], $0x80  }
0xbe: {  	[sflag:s8] =	ssyncset.done $0x0  }
0xbf: {  	[sflag:s8] =	ssyncadd.s32 $0xFFFFFF80  }
0xc0: {  	_ =	swait.ge [sflag:s8], $0x80  }
0xc1: {  	[sflag:s8] =	ssyncset.done $0x0  }
0xc2: {  	[sflag:s8] =	ssyncadd.s32 $0xFFFFFF80  }
0xc3: {  	_ =	swait.ge [sflag:s8], $0x80  }
0xc4: {  	s12 =	simm.s32 $0x4000;
	[sflag:s8] =	ssyncset.done $0x0  }
.LBB2_2:
0xc5: {  	p0 =	sne.s32 s12, $0x3C000;
	[sflag:s8] =	ssyncadd.s32 $0xFFFFFF80;
	s11 =	sadd.s32 $0x20, s11  }
0xc6: {  	s13 =	smov.u32 s12;
	s12 =	sadd.s32 $0x4000, s12;
	_ =	swait.ge [sflag:s8], $0x80  }
0xc7: {  	[sflag:s8] =	ssyncset.done $0x0  }
0xc8: {  	[sflag:s8] =	ssyncadd.s32 $0xFFFFFF80  }
0xc9: {  	_ =	swait.ge [sflag:s8], $0x80  }
0xca: {  	[sflag:s8] =	ssyncset.done $0x0  }
0xcb: {  	[sflag:s8] =	ssyncadd.s32 $0xFFFFFF80  }
0xcc: {  	v0 =	vld [tilespmem:s11+$0xFFFFFFF0];
	_ =	sdelay $0x4  }
0xcd: {  	v0 =	vshll.u32 v0, $0x4  }
0xce: {  	(v2sf) =	vpush v0, $0x0  }
0xcf: {  	(v2sf) =	vpush v0, $0x1  }
0xd0: {  	(v2sf) =	vpush v0, $0x2;
	_ =	sdelay $0x1  }
0xd1: {  	(v2sf) =	vpush v0, $0x3;
	_ =	sdelay $0x1  }
0xd2: {  	(v2sf) =	vpush v0, $0x4;
	_ =	sdelay $0x1  }
0xd3: {  	(v2sf) =	vpush v0, $0x5;
	_ =	sdelay $0x1  }
0xd4: {  	s13 =	sshra.s32 s13, $0x2;
	(v2sf) =	vpush v0, $0x6  }
0xd5: {  	s21 =	sadd.s32 $0x280, s13;
	s22 =	sadd.s32 $0x380, s13;
	s23 =	sadd.s32 $0x400, s13  }
0xd6: {  	s24 =	sadd.s32 $0x200, s13;
	s25 =	sadd.s32 $0x300, s13;
	s14 =	sadd.s32 $0x980, s13;
	(v2sf) =	vpush v0, $0x7  }
0xd7: {  	s26 =	sadd.s32 $0x480, s13;
	s16 =	sadd.s32 $0x800, s13;
	s15 =	sadd.s32 $0x880, s13  }
0xd8: {  	s19 =	sadd.s32 $0x680, s13;
	s18 =	sadd.s32 $0x700, s13;
	s17 =	sadd.s32 $0x780, s13;
	(v2sf) =	vpush v0, $0x8  }
0xd9: {  	s28 =	sadd.s32 $0x500, s13;
	s20 =	sadd.s32 $0x600, s13;
	s29 =	spop (v2sf)  }
0xda: {  	s30 =	sadd.s32 $0x580, s13;
	s29 =	sand.u32 $0x1FFFFFF0, s29;
	s31 =	spop (v2sf);
	(v2sf) =	vpush v0, $0x9  }
0xdb: {  	s29 =	sadd.s32 s3, s29;
	s31 =	sand.u32 $0x1FFFFFF0, s31;
	s0 =	spop (v2sf)  }
0xdc: {  	[tilespmem:s24], [sflag:$0x1] =	stream.linear.gather [hbm4b:s29+s2], $0x80, $0x38;
	(v2sf) =	vpush v0, $0xA;
	[tilespmem:$0x10200] =	vst v63  }
0xdd: {  	s24 =	sadd.s32 s3, s31;
	s0 =	sand.u32 $0x1FFFFFF0, s0;
	s29 =	spop (v2sf)  }
0xde: {  	[tilespmem:s21], [sflag:$0x1] =	stream.linear.gather [hbm4b:s24+s2], $0x80, $0x38;
	(v2sf) =	vpush v0, $0xB;
	[tilespmem:$0x10200] =	vst v63  }
0xdf: {  	s0 =	sadd.s32 s3, s0;
	s21 =	sand.u32 $0x1FFFFFF0, s29;
	s24 =	spop (v2sf)  }
0xe0: {  	[tilespmem:s25], [sflag:$0x1] =	stream.linear.gather [hbm4b:s0+s2], $0x80, $0x38;
	(v2sf) =	vpush v0, $0xC;
	[tilespmem:$0x10200] =	vst v63  }
0xe1: {  	s0 =	sadd.s32 s3, s21;
	s21 =	sand.u32 $0x1FFFFFF0, s24;
	s24 =	spop (v2sf)  }
0xe2: {  	[tilespmem:s22], [sflag:$0x1] =	stream.linear.gather [hbm4b:s0+s2], $0x80, $0x38;
	(v2sf) =	vpush v0, $0xD;
	[tilespmem:$0x10200] =	vst v63  }
0xe3: {  	s0 =	sadd.s32 s3, s21;
	s21 =	sand.u32 $0x1FFFFFF0, s24;
	s22 =	spop (v2sf)  }
0xe4: {  	[tilespmem:s23], [sflag:$0x1] =	stream.linear.gather [hbm4b:s0+s2], $0x80, $0x38;
	(v2sf) =	vpush v0, $0xE;
	[tilespmem:$0x10200] =	vst v63  }
0xe5: {  	s0 =	sadd.s32 s3, s21;
	s21 =	sand.u32 $0x1FFFFFF0, s22;
	s22 =	spop (v2sf)  }
0xe6: {  	[tilespmem:s26], [sflag:$0x1] =	stream.linear.gather [hbm4b:s0+s2], $0x80, $0x38;
	(v2sf) =	vpush v0, $0xF;
	[tilespmem:$0x10200] =	vst v63  }
0xe7: {  	s0 =	sadd.s32 s3, s21;
	s21 =	sand.u32 $0x1FFFFFF0, s22;
	s22 =	spop (v2sf)  }
0xe8: {  	[tilespmem:s28], [sflag:$0x1] =	stream.linear.gather [hbm4b:s0+s2], $0x80, $0x38;
	[tilespmem:$0x10200] =	vst v63  }
0xe9: {  	s0 =	sadd.s32 s3, s21;
	s21 =	sand.u32 $0x1FFFFFF0, s22;
	s22 =	spop (v2sf)  }
0xea: {  	[tilespmem:s30], [sflag:$0x1] =	stream.linear.gather [hbm4b:s0+s2], $0x80, $0x38;
	[tilespmem:$0x10200] =	vst v63  }
0xeb: {  	s0 =	sadd.s32 s3, s21;
	s21 =	sand.u32 $0x1FFFFFF0, s22;
	s22 =	spop (v2sf)  }
0xec: {  	[tilespmem:s20], [sflag:$0x1] =	stream.linear.gather [hbm4b:s0+s2], $0x80, $0x38;
	[tilespmem:$0x10200] =	vst v63  }
0xed: {  	s0 =	sadd.s32 s3, s21;
	s20 =	sand.u32 $0x1FFFFFF0, s22;
	s21 =	spop (v2sf)  }
0xee: {  	[tilespmem:s19], [sflag:$0x1] =	stream.linear.gather [hbm4b:s0+s2], $0x80, $0x38;
	[tilespmem:$0x10200] =	vst v63  }
0xef: {  	s0 =	sadd.s32 s3, s20;
	s19 =	sand.u32 $0x1FFFFFF0, s21;
	s20 =	spop (v2sf)  }
0xf0: {  	[tilespmem:s18], [sflag:$0x1] =	stream.linear.gather [hbm4b:s0+s2], $0x80, $0x38;
	[tilespmem:$0x10200] =	vst v63  }
0xf1: {  	s0 =	sadd.s32 s3, s19;
	s18 =	sand.u32 $0x1FFFFFF0, s20;
	s19 =	spop (v2sf)  }
0xf2: {  	[tilespmem:s17], [sflag:$0x1] =	stream.linear.gather [hbm4b:s0+s2], $0x80, $0x38;
	[tilespmem:$0x10200] =	vst v63  }
0xf3: {  	s0 =	sadd.s32 s3, s18;
	s17 =	sand.u32 $0x1FFFFFF0, s19;
	s18 =	spop (v2sf)  }
0xf4: {  	[tilespmem:s16], [sflag:$0x1] =	stream.linear.gather [hbm4b:s0+s2], $0x80, $0x38;
	[tilespmem:$0x10200] =	vst v63  }
0xf5: {  	s0 =	sadd.s32 s3, s17;
	s16 =	sand.u32 $0x1FFFFFF0, s18;
	s17 =	spop (v2sf)  }
0xf6: {  	[tilespmem:s15], [sflag:$0x1] =	stream.linear.gather [hbm4b:s0+s2], $0x80, $0x38;
	[tilespmem:$0x10200] =	vst v63  }
0xf7: {  	s0 =	sadd.s32 $0x900, s13;
	s15 =	sadd.s32 s3, s16;
	s16 =	sand.u32 $0x1FFFFFF0, s17  }
0xf8: {  	[tilespmem:s0], [sflag:$0x1] =	stream.linear.gather [hbm4b:s15+s2], $0x80, $0x38;
	[tilespmem:$0x10200] =	vst v63  }
0xf9: {  	s0 =	sadd.s32 s3, s16  }
0xfa: {  	[tilespmem:s14], [sflag:$0x1] =	stream.linear.gather [hbm4b:s0+s2], $0x80, $0x38;
	[tilespmem:$0x10200] =	vst v63  }
0xfb: {  	v0 =	vld [tilespmem:s11+$0x0];
	_ =	sdelay $0x4  }
0xfc: {  	v0 =	vshll.u32 v0, $0x4  }
0xfd: {  	(v2sf) =	vpush v0, $0x0  }
0xfe: {  	(v2sf) =	vpush v0, $0x1  }
0xff: {  	(v2sf) =	vpush v0, $0x2;
	_ =	sdelay $0x1  }
0x100: {  	(v2sf) =	vpush v0, $0x3;
	_ =	sdelay $0x1  }
0x101: {  	(v2sf) =	vpush v0, $0x4;
	_ =	sdelay $0x1  }
0x102: {  	(v2sf) =	vpush v0, $0x5;
	_ =	sdelay $0x1  }
0x103: {  	(v2sf) =	vpush v0, $0x6  }
0x104: {  	s15 =	sadd.s32 $0x1000, s13;
	s14 =	sadd.s32 $0x1080, s13  }
0x105: {  	s18 =	sadd.s32 $0xE80, s13;
	s17 =	sadd.s32 $0xF00, s13;
	s16 =	sadd.s32 $0xF80, s13;
	(v2sf) =	vpush v0, $0x7  }
0x106: {  	s21 =	sadd.s32 $0xD00, s13;
	s20 =	sadd.s32 $0xD80, s13;
	s19 =	sadd.s32 $0xE00, s13  }
0x107: {  	s23 =	sadd.s32 $0xC80, s13;
	s22 =	sadd.s32 $0xC00, s13;
	s0 =	sadd.s32 $0xB80, s13;
	(v2sf) =	vpush v0, $0x8  }
0x108: {  	s25 =	sadd.s32 $0xB00, s13;
	s24 =	sadd.s32 $0xA80, s13;
	s26 =	spop (v2sf)  }
0x109: {  	s28 =	sadd.s32 $0xA00, s13;
	s26 =	sand.u32 $0x1FFFFFF0, s26;
	s29 =	spop (v2sf);
	(v2sf) =	vpush v0, $0x9  }
0x10a: {  	s26 =	sadd.s32 s3, s26;
	s29 =	sand.u32 $0x1FFFFFF0, s29;
	s30 =	spop (v2sf)  }
0x10b: {  	[tilespmem:s28], [sflag:$0x1] =	stream.linear.gather [hbm4b:s26+s2], $0x80, $0x38;
	(v2sf) =	vpush v0, $0xA;
	[tilespmem:$0x10200] =	vst v63  }
0x10c: {  	s26 =	sadd.s32 s3, s29;
	s28 =	sand.u32 $0x1FFFFFF0, s30;
	s29 =	spop (v2sf)  }
0x10d: {  	[tilespmem:s24], [sflag:$0x1] =	stream.linear.gather [hbm4b:s26+s2], $0x80, $0x38;
	(v2sf) =	vpush v0, $0xB;
	[tilespmem:$0x10200] =	vst v63  }
0x10e: {  	s24 =	sadd.s32 s3, s28;
	s26 =	sand.u32 $0x1FFFFFF0, s29;
	s28 =	spop (v2sf)  }
0x10f: {  	[tilespmem:s25], [sflag:$0x1] =	stream.linear.gather [hbm4b:s24+s2], $0x80, $0x38;
	(v2sf) =	vpush v0, $0xC;
	[tilespmem:$0x10200] =	vst v63  }
0x110: {  	s24 =	sadd.s32 s3, s26;
	s25 =	sand.u32 $0x1FFFFFF0, s28;
	s26 =	spop (v2sf)  }
0x111: {  	[tilespmem:s0], [sflag:$0x1] =	stream.linear.gather [hbm4b:s24+s2], $0x80, $0x38;
	(v2sf) =	vpush v0, $0xD;
	[tilespmem:$0x10200] =	vst v63  }
0x112: {  	s0 =	sadd.s32 s3, s25;
	s24 =	sand.u32 $0x1FFFFFF0, s26;
	s25 =	spop (v2sf)  }
0x113: {  	[tilespmem:s22], [sflag:$0x1] =	stream.linear.gather [hbm4b:s0+s2], $0x80, $0x38;
	(v2sf) =	vpush v0, $0xE;
	[tilespmem:$0x10200] =	vst v63  }
0x114: {  	s0 =	sadd.s32 s3, s24;
	s22 =	sand.u32 $0x1FFFFFF0, s25;
	s24 =	spop (v2sf)  }
0x115: {  	[tilespmem:s23], [sflag:$0x1] =	stream.linear.gather [hbm4b:s0+s2], $0x80, $0x38;
	(v2sf) =	vpush v0, $0xF;
	[tilespmem:$0x10200] =	vst v63  }
0x116: {  	s0 =	sadd.s32 s3, s22;
	s22 =	sand.u32 $0x1FFFFFF0, s24;
	s23 =	spop (v2sf)  }
0x117: {  	[tilespmem:s21], [sflag:$0x1] =	stream.linear.gather [hbm4b:s0+s2], $0x80, $0x38;
	[tilespmem:$0x10200] =	vst v63  }
0x118: {  	s0 =	sadd.s32 s3, s22;
	s21 =	sand.u32 $0x1FFFFFF0, s23;
	s22 =	spop (v2sf)  }
0x119: {  	[tilespmem:s20], [sflag:$0x1] =	stream.linear.gather [hbm4b:s0+s2], $0x80, $0x38;
	[tilespmem:$0x10200] =	vst v63  }
0x11a: {  	s0 =	sadd.s32 s3, s21;
	s20 =	sand.u32 $0x1FFFFFF0, s22;
	s21 =	spop (v2sf)  }
0x11b: {  	[tilespmem:s19], [sflag:$0x1] =	stream.linear.gather [hbm4b:s0+s2], $0x80, $0x38;
	[tilespmem:$0x10200] =	vst v63  }
0x11c: {  	s0 =	sadd.s32 s3, s20;
	s19 =	sand.u32 $0x1FFFFFF0, s21;
	s20 =	spop (v2sf)  }
0x11d: {  	[tilespmem:s18], [sflag:$0x1] =	stream.linear.gather [hbm4b:s0+s2], $0x80, $0x38;
	[tilespmem:$0x10200] =	vst v63  }
0x11e: {  	s0 =	sadd.s32 s3, s19;
	s18 =	sand.u32 $0x1FFFFFF0, s20;
	s19 =	spop (v2sf)  }
0x11f: {  	[tilespmem:s17], [sflag:$0x1] =	stream.linear.gather [hbm4b:s0+s2], $0x80, $0x38;
	[tilespmem:$0x10200] =	vst v63  }
0x120: {  	s0 =	sadd.s32 s3, s18;
	s17 =	sand.u32 $0x1FFFFFF0, s19;
	s18 =	spop (v2sf)  }
0x121: {  	[tilespmem:s16], [sflag:$0x1] =	stream.linear.gather [hbm4b:s0+s2], $0x80, $0x38;
	[tilespmem:$0x10200] =	vst v63  }
0x122: {  	s0 =	sadd.s32 s3, s17;
	s16 =	sand.u32 $0x1FFFFFF0, s18;
	s17 =	spop (v2sf)  }
0x123: {  	[tilespmem:s15], [sflag:$0x1] =	stream.linear.gather [hbm4b:s0+s2], $0x80, $0x38;
	[tilespmem:$0x10200] =	vst v63  }
0x124: {  	s0 =	sadd.s32 s3, s16;
	s15 =	sand.u32 $0x1FFFFFF0, s17;
	s16 =	spop (v2sf)  }
0x125: {  	[tilespmem:s14], [sflag:$0x1] =	stream.linear.gather [hbm4b:s0+s2], $0x80, $0x38;
	[tilespmem:$0x10200] =	vst v63  }
0x126: {  	s0 =	sadd.s32 $0x1100, s13;
	s14 =	sadd.s32 s3, s15;
	s15 =	sand.u32 $0x1FFFFFF0, s16  }
0x127: {  	[tilespmem:s0], [sflag:$0x1] =	stream.linear.gather [hbm4b:s14+s2], $0x80, $0x38;
	[tilespmem:$0x10200] =	vst v63  }
0x128: {  	s0 =	sadd.s32 $0x1180, s13;
	s13 =	sadd.s32 s3, s15  }
0x129: {  	[tilespmem:s0], [sflag:$0x1] =	stream.linear.gather [hbm4b:s13+s2], $0x80, $0x38;
	[tilespmem:$0x10200] =	vst v63  }
0x12a: {  	_ =	swait.ge [sflag:s8], $0x80  }
0x12b: {  	[sflag:s8] =	ssyncset.done $0x0  }
0x12c: {  	[sflag:s8] =	ssyncadd.s32 $0xFFFFFF80  }
0x12d: {  	_ =	swait.ge [sflag:s8], $0x80  }
0x12e: {  	[sflag:s8] =	ssyncset.done $0x0  }
0x12f: {  	[sflag:s8] =	ssyncadd.s32 $0xFFFFFF80  }
0x130: {  	_ =	swait.ge [sflag:s8], $0x80  }
0x131: {  	[sflag:s8] =	ssyncset.done $0x0  }
0x132: {  	[sflag:s8] =	ssyncadd.s32 $0xFFFFFF80  }
0x133: {  	_ =	swait.ge [sflag:s8], $0x80  }
0x134: {  	[sflag:s8] =	ssyncset.done $0x0  }
0x135: {  	[sflag:s8] =	ssyncadd.s32 $0xFFFFFF80  }
0x136: {  	_ =	swait.ge [sflag:s8], $0x80  }
0x137: {  	[sflag:s8] =	ssyncset.done $0x0  }
0x138: {  	[sflag:s8] =	ssyncadd.s32 $0xFFFFFF80  }
0x139: {  	_ =	swait.ge [sflag:s8], $0x80  }
0x13a: {  	[sflag:s8] =	ssyncset.done $0x0  }
0x13b: {  	[sflag:s8] =	ssyncadd.s32 $0xFFFFFF80  }
0x13c: {  	_ =	swait.ge [sflag:s8], $0x80  }
0x13d: {  	[sflag:s8] =	ssyncset.done $0x0  }
0x13e: {  	[sflag:s8] =	ssyncadd.s32 $0xFFFFFF80  }
0x13f: {  	_ =	swait.ge [sflag:s8], $0x80  }
0x140: {  	[sflag:s8] =	ssyncset.done $0x0  }
0x141: {  	[sflag:s8] =	ssyncadd.s32 $0xFFFFFF80  }
0x142: {  	_ =	swait.ge [sflag:s8], $0x80  }
0x143: {  	[sflag:s8] =	ssyncset.done $0x0  }
0x144: {  	[sflag:s8] =	ssyncadd.s32 $0xFFFFFF80  }
0x145: {  	_ =	swait.ge [sflag:s8], $0x80  }
0x146: {  	[sflag:s8] =	ssyncset.done $0x0  }
0x147: {  	[sflag:s8] =	ssyncadd.s32 $0xFFFFFF80  }
0x148: {  	_ =	swait.ge [sflag:s8], $0x80  }
0x149: {  	[sflag:s8] =	ssyncset.done $0x0  }
0x14a: {  	[sflag:s8] =	ssyncadd.s32 $0xFFFFFF80  }
0x14b: {  	_ =	swait.ge [sflag:s8], $0x80  }
0x14c: {  	[sflag:s8] =	ssyncset.done $0x0  }
0x14d: {  	[sflag:s8] =	ssyncadd.s32 $0xFFFFFF80  }
0x14e: {  	_ =	swait.ge [sflag:s8], $0x80  }
0x14f: {  	[sflag:s8] =	ssyncset.done $0x0  }
0x150: {  	[sflag:s8] =	ssyncadd.s32 $0xFFFFFF80  }
0x151: {  	_ =	swait.ge [sflag:s8], $0x80  }
0x152: {  	[sflag:s8] =	ssyncset.done $0x0  }
0x153: {  	[sflag:s8] =	ssyncadd.s32 $0xFFFFFF80  }
0x154: {  	_ =	swait.ge [sflag:s8], $0x80  }
0x155: {  	[sflag:s8] =	ssyncset.done $0x0  }
0x156: {  	[sflag:s8] =	ssyncadd.s32 $0xFFFFFF80  }
0x157: {  	_ =	swait.ge [sflag:s8], $0x80  }
0x158: {  	[sflag:s8] =	ssyncset.done $0x0  }
0x159: {  	[sflag:s8] =	ssyncadd.s32 $0xFFFFFF80  }
0x15a: {  	_ =	swait.ge [sflag:s8], $0x80  }
0x15b: {  	[sflag:s8] =	ssyncset.done $0x0  }
0x15c: {  	[sflag:s8] =	ssyncadd.s32 $0xFFFFFF80  }
0x15d: {  	_ =	swait.ge [sflag:s8], $0x80  }
0x15e: {  	[sflag:s8] =	ssyncset.done $0x0  }
0x15f: {  	[sflag:s8] =	ssyncadd.s32 $0xFFFFFF80  }
0x160: {  	_ =	swait.ge [sflag:s8], $0x80  }
0x161: {  	[sflag:s8] =	ssyncset.done $0x0  }
0x162: {  	[sflag:s8] =	ssyncadd.s32 $0xFFFFFF80  }
0x163: {  	_ =	swait.ge [sflag:s8], $0x80  }
0x164: {  	[sflag:s8] =	ssyncset.done $0x0  }
0x165: {  	[sflag:s8] =	ssyncadd.s32 $0xFFFFFF80  }
0x166: {  	_ =	swait.ge [sflag:s8], $0x80  }
0x167: {  	[sflag:s8] =	ssyncset.done $0x0  }
0x168: {  	[sflag:s8] =	ssyncadd.s32 $0xFFFFFF80  }
0x169: {  	_ =	swait.ge [sflag:s8], $0x80  }
0x16a: {  	[sflag:s8] =	ssyncset.done $0x0  }
0x16b: {  	[sflag:s8] =	ssyncadd.s32 $0xFFFFFF80  }
0x16c: {  	_ =	swait.ge [sflag:s8], $0x80  }
0x16d: {  	[sflag:s8] =	ssyncset.done $0x0  }
0x16e: {  	[sflag:s8] =	ssyncadd.s32 $0xFFFFFF80  }
0x16f: {  	_ =	swait.ge [sflag:s8], $0x80  }
0x170: {  	[sflag:s8] =	ssyncset.done $0x0  }
0x171: {  	[sflag:s8] =	ssyncadd.s32 $0xFFFFFF80  }
0x172: {  	_ =	swait.ge [sflag:s8], $0x80  }
0x173: {  	[sflag:s8] =	ssyncset.done $0x0  }
0x174: {  	[sflag:s8] =	ssyncadd.s32 $0xFFFFFF80  }
0x175: {  	_ =	swait.ge [sflag:s8], $0x80  }
0x176: {  	[sflag:s8] =	ssyncset.done $0x0  }
0x177: {  	[sflag:s8] =	ssyncadd.s32 $0xFFFFFF80  }
0x178: {  	_ =	swait.ge [sflag:s8], $0x80  }
0x179: {  	[sflag:s8] =	ssyncset.done $0x0  }
0x17a: {  	[sflag:s8] =	ssyncadd.s32 $0xFFFFFF80  }
0x17b: {  	_ =	swait.ge [sflag:s8], $0x80  }
0x17c: {  	[sflag:s8] =	ssyncset.done $0x0  }
0x17d: {  	[sflag:s8] =	ssyncadd.s32 $0xFFFFFF80  }
.Ltmp0:
0x17e: {  	_ =	swait.ge [sflag:s8], $0x80;
	(pc) =	sbr.rel @p0 .LBB2_2-.Ltmp0, $4  }
0x17f: {  	[sflag:s8] =	ssyncset.done $0x0  }
0x180: {  	[sflag:s8] =	ssyncadd.s32 $0xFFFFFF80  }
0x181: {  	_ =	swait.ge [sflag:s8], $0x80  }
0x182: {  	[sflag:s8] =	ssyncset.done $0x0  }
0x183: {  	[sflag:s8] =	ssyncadd.s32 $0xFFFFFF80  }
0x184: {  	_ =	swait.ge [sflag:s8], $0x80  }
0x185: {  	[sflag:s8] =	ssyncset.done $0x0  }
0x186: {  	[sflag:s8] =	ssyncadd.s32 $0xFFFFFF80  }
0x187: {  	s10 =	sadd.s32 $0x1, s10;
	_ =	swait.ge [sflag:s8], $0x80  }
0x188: {  	p0 =	sne.s32 s10, s6;
	[sflag:s8] =	ssyncset.done $0x0  }
.Ltmp1:
0x189: {  	[sflag:s8] =	ssyncadd.s32 $0xFFFFFF80;
	(pc) =	sbr.rel @p0 .LBB2_1-.Ltmp1, $4  }
0x18a: {  	[hbm4b:s5+s2] =	stream.linear.scatter [tilespmem:s9], [sflag:$0x2], $0x10000, $0x38;
	[tilespmem:$0x10200] =	vst v63  }
0x18b: {  	_ =	swait.ge [sflag:s7], $0x10000  }
0x18c: {  	[sflag:s7] =	ssyncset.done $0x0  }
0x18d: {  	[sflag:s7] =	ssyncadd.s32 $0xFFFF0000  }
0x18e: {  	_ =	sfence.sel $0x180000  }
0x18f: {  	[bflag:$0x0] =	sbarrier.arrive $0xFFFF  }
0x190: {  	_ =	strace $0x90000047  }
0x191: {  	[bflag:$0x2] =	sbarrier.arrive $0xFFFF  }
0x192: {  	p0 =	sne.s32 s1, $0x0;
	s0 =	rddreg [dreg:$0x2]  }
0x193: {  	s0 =	sadd.s32 @!p0 $0x100000, s0  }
0x194: {  	[sflag:s0] =	ssyncadd.tile.s32 @!p0 $0x1;
	_ =	shalt  }
.Lfunc_end2:
_tile_overlayer_lowered:
.L_overlay_start_2:
0x195: {  	(tag) =	ssettag $0x2  }
0x196: {  	s0 =	rddreg [dreg:$0x0];
	s2 =	stileid.u32  }
0x197: {  	s1 =	rddreg [dreg:$0x1];
	p0 =	sne.s32 s2, $0x0  }
0x198: {  	s3 =	rddreg [dreg:$0x2];
	[bflag:$0x3] =	sbarrier.arrive $0xFFFF;
	s2 =	simm.s32 @!p0 $0x1C02  }
0x199: {  	[timem:s3], [sflag:s2] =	dma.local @!p0 [hbm:s0], s1  }
0x19a: {  	s0 =	simm.s32 @!p0 $0x2  }
0x19b: {  	_ =	swait.ge @!p0 [sflag:s0], s1  }
0x19c: {  	s1 =	ssub.s32 @!p0 $0x0, s1;
	[sflag:s0] =	ssyncset.done @!p0 $0x0  }
0x19d: {  	[sflag:s0] =	ssyncadd.s32 @!p0 s1  }
0x19e: {  	[bflag:$0x3] =	sbarrier.arrive $0xFFFF  }
0x19f: {  	_ =	shalt  }

</sc_bundles>
